<compile_context>
chip_gen: v7x
topology: tpu7x:2x2x1
jax: 0.10.2.dev20260603
libtpu: 0.0.44.dev20260713+nightly
codegen_flags: <defaults>
</compile_context>

<pallas_src>
import functools

import jax
import jax.numpy as jnp
import numpy as np
from jax import lax
from jax.experimental import pallas as pl
from jax.experimental.pallas import tpu as pltpu
from jax.experimental.pallas import tpu_sc as plsc

_B, _H, _W, _C = 4, 112, 112, 96
_HO, _WO = 224, 224
_F = _HO * _WO * _C
_N = _H * _W * _C
_E = _B * _N
_PER_T = _E // 16
_K = 5376
_NCHUNK = _PER_T // _K

_NWORD = _B * (_H // 2) * _W * _C
_WSPB = _NWORD // 2
_WSL = _WSPB // 16
_ZB = _WSL // 8
_DUMP = 8192

_RECIP96 = np.float32(1.0 / 96.0)
_RECIP224 = np.float32((1.0 + 2.0**-21) / 224.0)

_mesh = plsc.VectorSubcoreMesh(core_axis_name="c", subcore_axis_name="s")


@functools.partial(
    pl.kernel,
    out_type=jax.ShapeDtypeStruct((_NWORD,), jnp.int32),
    mesh=_mesh,
    scratch_types=[
        pltpu.VMEM_SHARED((_WSPB + _DUMP,), jnp.int32),
        pltpu.VMEM((_K,), jnp.int32),
        pltpu.VMEM((_K,), jnp.int32),
        pltpu.VMEM((_K,), jnp.int32),
        pltpu.VMEM((_K,), jnp.int32),
        pltpu.VMEM((_K,), jnp.int32),
        pltpu.VMEM((_K,), jnp.int32),
        pltpu.VMEM((_ZB,), jnp.int32),
        pltpu.SemaphoreType.DMA,
        pltpu.SemaphoreType.DMA,
    ],
)
def _scatter_rounds(idx_hbm, sw, spm, idx_v0, idx_v1, loc_v0, loc_v1, val_v0,
                    val_v1, zb, sem0, sem1):
    idx_b, loc_b, val_b = (idx_v0, idx_v1), (loc_v0, loc_v1), (val_v0, val_v1)
    sems = (sem0, sem1)
    sc = lax.axis_index("c")
    sid = lax.axis_index("s")
    word_off = (sid >> 2) * (_NWORD // _B)
    base = sid * _PER_T
    lo = sc * _WSPB
    zeros16 = jnp.zeros((16,), jnp.int32)

    def fill_zero(j, c):
        zb[pl.ds(pl.multiple_of(j * 16, 16), 16)] = zeros16
        return c

    lax.fori_loop(0, _ZB // 16, fill_zero, 0, unroll=8)

    for z in range(_WSL // _ZB):
        pltpu.sync_copy(zb, spm.at[pl.ds(sid * _WSL + z * _ZB, _ZB)])
    plsc.subcore_barrier()

    def do_chunk(k, s):
        idx_v, loc_v, val_v = idx_b[s], loc_b[s], val_b[s]
        pltpu.sync_copy(idx_hbm.at[pl.ds(base + k * _K, _K)], idx_v)

        def grp(j, c2):
            sl = pl.ds(pl.multiple_of(j * 16, 16), 16)
            i = idx_v[sl]
            q = (i.astype(jnp.float32) * _RECIP96).astype(jnp.int32)
            ch = i - q * 96
            ho = (q.astype(jnp.float32) * _RECIP224).astype(jnp.int32)
            wo = q - ho * 224
            word = (lax.shift_right_logical(ho, 2) * (_W * _C)
                    + lax.shift_right_logical(wo, 1) * _C
                    + ch) + word_off
            local = word - lo
            hit = (local >= 0) & (local < _WSPB)
            loc_v[sl] = jnp.where(hit, local, _WSPB + (i & (_DUMP - 1)))
            val = (jnp.where((wo & 1) != 0, 16, 1)
                   * jnp.where((ho & 2) != 0, 256, 1)
                   * jnp.where((ho & 1) != 0, 65536, 1))
            val_v[sl] = val
            return c2

        lax.fori_loop(0, _K // 16, grp, 0, unroll=4)
        pltpu.async_copy(val_v, spm.at[loc_v], sems[s], add=True)

    def drain(s):
        pltpu.make_async_copy(val_b[s], spm.at[loc_b[s]], sems[s]).wait()

    def pair(k2, c):
        for s in range(2):
            @pl.when(k2 > 0)
            def _(s=s):
                drain(s)
            do_chunk(k2 * 2 + s, s)
        return c

    lax.fori_loop(0, _NCHUNK // 2, pair, 0)
    drain(0)
    drain(1)
    plsc.subcore_barrier()
    pltpu.sync_copy(
        spm.at[pl.ds(sid * _WSL, _WSL)],
        sw.at[pl.ds(lo + sid * _WSL, _WSL)],
    )


def _mul_body(pooled_ref, sw_ref, out_ref):
    dh = pl.program_id(2)
    p = pooled_ref[...].reshape(_HB, _W, _C)
    s = sw_ref[...].reshape(_HB // 2, _W, _C)
    srep = jnp.repeat(s, 2, axis=0)
    hp = lax.broadcasted_iota(jnp.int32, (_HB, 1, 1), 0) & 1
    fields = lax.shift_right_logical(srep, dh * 16 + hp * 8)
    m0 = ((fields & 0xF) != 0).astype(jnp.float32)
    m1 = ((fields & 0xF0) != 0).astype(jnp.float32)
    out = jnp.concatenate([p * m0, p * m1], axis=-1)
    out_ref[...] = out.reshape(1, _HB, 1, _W, 2 * _C)


_HB = 16


def _mask_mul(pooled, sw4):
    return pl.pallas_call(
        _mul_body,
        grid=(_B, _H // _HB, 2),
        in_specs=[
            pl.BlockSpec((1, _HB, _W, _C), lambda b, h, dh: (b, h, 0, 0)),
            pl.BlockSpec((1, _HB // 2, _W, _C), lambda b, h, dh: (b, h, 0, 0)),
        ],
        out_specs=pl.BlockSpec((1, _HB, 1, _W, 2 * _C),
                               lambda b, h, dh: (b, h, dh, 0, 0)),
        out_shape=jax.ShapeDtypeStruct((_B, _H, 2, _W, 2 * _C), jnp.float32),
    )(pooled, sw4)


def kernel(pooled_Maps, indices, Rectified_FM):
    del Rectified_FM
    idx_flat = indices.reshape(-1)
    sw_words = _scatter_rounds(idx_flat)
    sw4 = sw_words.reshape(_B, _H // 2, _W, _C)
    out5 = _mask_mul(pooled_Maps, sw4)
    return out5.reshape(_B, _HO, _WO, _C)

# --- scband reference (transcript-rebuilt; emitter-appended) ---
"""Pipeline reference for scband-un-pooling2-d-26749056319643 (READ-ONLY COPY).

The authoritative reference and input builder live on the scoring server;
editing this copy changes nothing except your own understanding.
"""

import jax, jax.numpy as jnp
import numpy as np

B, H, W, C = 4, 112, 112, 96
Ho, Wo = 224, 224

def setup_inputs(seed: int = 0) -> dict:
    key = jax.random.key(seed)
    k1, k2, k3 = jax.random.split(key, 3)
    pooled_Maps = jax.random.normal(k1, (B, H, W, C), dtype=jnp.float32)
    # argmax-style indices: flattened per-batch index into [Ho*Wo*C)
    indices = jax.random.randint(k2, (B, H, W, C), 0, Ho * Wo * C, dtype=jnp.int32)
    Rectified_FM = jax.random.normal(k3, (B, Ho, Wo, C), dtype=jnp.float32)
    return {"pooled_Maps": pooled_Aps if False else pooled_Maps, "indices": indices, "Rectified_FM": Rectified_FM}

def reference(pooled_Maps, indices, Rectified_FM):
    Bn, Hout, Wout, Cn = Rectified_FM.shape
    flat_out = Hout * Wout * Cn
    # flatten pooled values and indices, build (batch, flat_idx) scatter of ones
    flat_pooled = pooled_Maps.reshape(Bn, -1)
    flat_idx = indices.reshape(Bn, -1)
    ones = jnp.ones_like(flat_pooled)
    batch_idx = jnp.arange(Bn, dtype=flat_idx.dtype)[:, None]
    switches = jnp.zeros((Bn, flat_out), dtype=pooled_Maps.dtype).at[batch_idx, flat_idx].add(ones)
    switches = switches > jnp.zeros_like(switches)
    switches = switches.reshape(Bn, Hout, Wout, Cn)
    # tf.image.resize_nearest_neighbor with integer upscale factor == repeat
    rh = Hout // pooled_Maps.shape[1]
    rw = Wout // pooled_Maps.shape[2]
    img = jnp.repeat(jnp.repeat(pooled_Maps, rh, axis=1), rw, axis=2)
    Unpooled_Maps = img * switches.astype(img.dtype)
    return Unpooled_Maps

if __name__ == "__main__":
    import jax
    _d = setup_inputs()
    print(jax.jit(kernel)(*tuple(_d.values())))

</pallas_src>

<mosaic_0001>
#map = affine_map<(d0, d1) -> (0)>
module attributes {stable_mosaic.version = 14 : i64} {
  func.func @_scatter_rounds(%arg0: i32, %arg1: i32, %arg2: memref<4816896xi32, #tpu.memory_space<hbm>>, %arg3: memref<2408448xi32, #tpu.memory_space<hbm>>, %arg4: memref<1212416xi32, #tpu.memory_space<vmem_shared>>, %arg5: memref<5376xi32, #tpu.memory_space<vmem>>, %arg6: memref<5376xi32, #tpu.memory_space<vmem>>, %arg7: memref<5376xi32, #tpu.memory_space<vmem>>, %arg8: memref<5376xi32, #tpu.memory_space<vmem>>, %arg9: memref<5376xi32, #tpu.memory_space<vmem>>, %arg10: memref<5376xi32, #tpu.memory_space<vmem>>, %arg11: memref<9408xi32, #tpu.memory_space<vmem>>, %arg12: memref<!tpu.dma_semaphore, #tpu.memory_space<semaphore_mem>>, %arg13: memref<!tpu.dma_semaphore, #tpu.memory_space<semaphore_mem>>) attributes {dimension_semantics = [#tpu.dimension_semantics<core_parallel>, #tpu.dimension_semantics<subcore_parallel>], iteration_bounds = array<i64: 2, 16>, scalar_prefetch = 0 : i64, scratch_operands = 10 : i64, tpu.core_type = #tpu.core_type<sc_vector_subcore>, window_params = [{transform_indices = #map}, {transform_indices = #map}]} {
    %shift_right_arithmetic3A = arith.constant 2 : i32
    %shift_right_arithmetic3A_0 = arith.shrsi %arg1, %shift_right_arithmetic3A : i32
    %mul3A = arith.constant 602112 : i32
    %mul3A_1 = arith.muli %shift_right_arithmetic3A_0, %mul3A : i32
    %mul3A_2 = arith.constant 301056 : i32
    %mul3A_3 = arith.muli %arg1, %mul3A_2 : i32
    %mul3A_4 = arith.constant 1204224 : i32
    %mul3A_5 = arith.muli %arg0, %mul3A_4 : i32
    %broadcast_in_dim3A = arith.constant 0 : i32
    %broadcast_in_dim3A_6 = vector.broadcast %broadcast_in_dim3A : i32 to vector<16xi32>
    %scan3A = arith.constant 0 : i32
    %scan3A_7 = arith.constant 0 : i32
    %scan3A_8 = arith.constant 584 : i32
    %scan3A_9 = arith.addi %scan3A_7, %scan3A_8 : i32
    %scan3A_10 = arith.constant 8 : i32
    scf.for %scan3A_92 = %scan3A_7 to %scan3A_9 step %scan3A_10  : i32 {
      %mul3A_93 = arith.constant 16 : i32
      %mul3A_94 = arith.muli %scan3A_92, %mul3A_93 : i32
      %multiple_of3A_95 = tpu.assume_multiple %mul3A_94, 16 : i32
      %swap3A_96 = arith.index_cast %multiple_of3A_95 : i32 to index
      %swap3A_97 = tpu.vector_load %arg11[%swap3A_96] {strides = array<i32>} : memref<9408xi32, #tpu.memory_space<vmem>>, vector<16xi32>,
      %swap3A_98 = vector.shape_cast %swap3A_97 : vector<16xi32> to vector<16xi32>
      %swap3A_99 = vector.shape_cast %broadcast_in_dim3A_6 : vector<16xi32> to vector<16xi32>
      tpu.vector_store %arg11[%swap3A_96], %swap3A_99 {strides = array<i32>} : memref<9408xi32, #tpu.memory_space<vmem>>, vector<16xi32>,
      %scan3A_100 = arith.constant 1 : i32
      %scan3A_101 = arith.addi %scan3A_92, %scan3A_100 : i32
      %mul3A_102 = arith.constant 16 : i32
      %mul3A_103 = arith.muli %scan3A_101, %mul3A_102 : i32
      %multiple_of3A_104 = tpu.assume_multiple %mul3A_103, 16 : i32
      %swap3A_105 = arith.index_cast %multiple_of3A_104 : i32 to index
      %swap3A_106 = tpu.vector_load %arg11[%swap3A_105] {strides = array<i32>} : memref<9408xi32, #tpu.memory_space<vmem>>, vector<16xi32>,
      %swap3A_107 = vector.shape_cast %swap3A_106 : vector<16xi32> to vector<16xi32>
      %swap3A_108 = vector.shape_cast %broadcast_in_dim3A_6 : vector<16xi32> to vector<16xi32>
      tpu.vector_store %arg11[%swap3A_105], %swap3A_108 {strides = array<i32>} : memref<9408xi32, #tpu.memory_space<vmem>>, vector<16xi32>,
      %scan3A_109 = arith.constant 2 : i32
      %scan3A_110 = arith.addi %scan3A_92, %scan3A_109 : i32
      %mul3A_111 = arith.constant 16 : i32
      %mul3A_112 = arith.muli %scan3A_110, %mul3A_111 : i32
      %multiple_of3A_113 = tpu.assume_multiple %mul3A_112, 16 : i32
      %swap3A_114 = arith.index_cast %multiple_of3A_113 : i32 to index
      %swap3A_115 = tpu.vector_load %arg11[%swap3A_114] {strides = array<i32>} : memref<9408xi32, #tpu.memory_space<vmem>>, vector<16xi32>,
      %swap3A_116 = vector.shape_cast %swap3A_115 : vector<16xi32> to vector<16xi32>
      %swap3A_117 = vector.shape_cast %broadcast_in_dim3A_6 : vector<16xi32> to vector<16xi32>
      tpu.vector_store %arg11[%swap3A_114], %swap3A_117 {strides = array<i32>} : memref<9408xi32, #tpu.memory_space<vmem>>, vector<16xi32>,
      %scan3A_118 = arith.constant 3 : i32
      %scan3A_119 = arith.addi %scan3A_92, %scan3A_118 : i32
      %mul3A_120 = arith.constant 16 : i32
      %mul3A_121 = arith.muli %scan3A_119, %mul3A_120 : i32
      %multiple_of3A_122 = tpu.assume_multiple %mul3A_121, 16 : i32
      %swap3A_123 = arith.index_cast %multiple_of3A_122 : i32 to index
      %swap3A_124 = tpu.vector_load %arg11[%swap3A_123] {strides = array<i32>} : memref<9408xi32, #tpu.memory_space<vmem>>, vector<16xi32>,
      %swap3A_125 = vector.shape_cast %swap3A_124 : vector<16xi32> to vector<16xi32>
      %swap3A_126 = vector.shape_cast %broadcast_in_dim3A_6 : vector<16xi32> to vector<16xi32>
      tpu.vector_store %arg11[%swap3A_123], %swap3A_126 {strides = array<i32>} : memref<9408xi32, #tpu.memory_space<vmem>>, vector<16xi32>,
      %scan3A_127 = arith.constant 4 : i32
      %scan3A_128 = arith.addi %scan3A_92, %scan3A_127 : i32
      %mul3A_129 = arith.constant 16 : i32
      %mul3A_130 = arith.muli %scan3A_128, %mul3A_129 : i32
      %multiple_of3A_131 = tpu.assume_multiple %mul3A_130, 16 : i32
      %swap3A_132 = arith.index_cast %multiple_of3A_131 : i32 to index
      %swap3A_133 = tpu.vector_load %arg11[%swap3A_132] {strides = array<i32>} : memref<9408xi32, #tpu.memory_space<vmem>>, vector<16xi32>,
      %swap3A_134 = vector.shape_cast %swap3A_133 : vector<16xi32> to vector<16xi32>
      %swap3A_135 = vector.shape_cast %broadcast_in_dim3A_6 : vector<16xi32> to vector<16xi32>
      tpu.vector_store %arg11[%swap3A_132], %swap3A_135 {strides = array<i32>} : memref<9408xi32, #tpu.memory_space<vmem>>, vector<16xi32>,
      %scan3A_136 = arith.constant 5 : i32
      %scan3A_137 = arith.addi %scan3A_92, %scan3A_136 : i32
      %mul3A_138 = arith.constant 16 : i32
      %mul3A_139 = arith.muli %scan3A_137, %mul3A_138 : i32
      %multiple_of3A_140 = tpu.assume_multiple %mul3A_139, 16 : i32
      %swap3A_141 = arith.index_cast %multiple_of3A_140 : i32 to index
      %swap3A_142 = tpu.vector_load %arg11[%swap3A_141] {strides = array<i32>} : memref<9408xi32, #tpu.memory_space<vmem>>, vector<16xi32>,
      %swap3A_143 = vector.shape_cast %swap3A_142 : vector<16xi32> to vector<16xi32>
      %swap3A_144 = vector.shape_cast %broadcast_in_dim3A_6 : vector<16xi32> to vector<16xi32>
      tpu.vector_store %arg11[%swap3A_141], %swap3A_144 {strides = array<i32>} : memref<9408xi32, #tpu.memory_space<vmem>>, vector<16xi32>,
      %scan3A_145 = arith.constant 6 : i32
      %scan3A_146 = arith.addi %scan3A_92, %scan3A_145 : i32
      %mul3A_147 = arith.constant 16 : i32
      %mul3A_148 = arith.muli %scan3A_146, %mul3A_147 : i32
      %multiple_of3A_149 = tpu.assume_multiple %mul3A_148, 16 : i32
      %swap3A_150 = arith.index_cast %multiple_of3A_149 : i32 to index
      %swap3A_151 = tpu.vector_load %arg11[%swap3A_150] {strides = array<i32>} : memref<9408xi32, #tpu.memory_space<vmem>>, vector<16xi32>,
      %swap3A_152 = vector.shape_cast %swap3A_151 : vector<16xi32> to vector<16xi32>
      %swap3A_153 = vector.shape_cast %broadcast_in_dim3A_6 : vector<16xi32> to vector<16xi32>
      tpu.vector_store %arg11[%swap3A_150], %swap3A_153 {strides = array<i32>} : memref<9408xi32, #tpu.memory_space<vmem>>, vector<16xi32>,
      %scan3A_154 = arith.constant 7 : i32
      %scan3A_155 = arith.addi %scan3A_92, %scan3A_154 : i32
      %mul3A_156 = arith.constant 16 : i32
      %mul3A_157 = arith.muli %scan3A_155, %mul3A_156 : i32
      %multiple_of3A_158 = tpu.assume_multiple %mul3A_157, 16 : i32
      %swap3A_159 = arith.index_cast %multiple_of3A_158 : i32 to index
      %swap3A_160 = tpu.vector_load %arg11[%swap3A_159] {strides = array<i32>} : memref<9408xi32, #tpu.memory_space<vmem>>, vector<16xi32>,
      %swap3A_161 = vector.shape_cast %swap3A_160 : vector<16xi32> to vector<16xi32>
      %swap3A_162 = vector.shape_cast %broadcast_in_dim3A_6 : vector<16xi32> to vector<16xi32>
      tpu.vector_store %arg11[%swap3A_159], %swap3A_162 {strides = array<i32>} : memref<9408xi32, #tpu.memory_space<vmem>>, vector<16xi32>,
    }
    %scan3A_11 = arith.constant 584 : i32
    %scan3A_12 = arith.addi %scan3A_7, %scan3A_11 : i32
    %mul3A_13 = arith.constant 16 : i32
    %mul3A_14 = arith.muli %scan3A_12, %mul3A_13 : i32
    %multiple_of3A = tpu.assume_multiple %mul3A_14, 16 : i32
    %swap3A = arith.index_cast %multiple_of3A : i32 to index
    %swap3A_15 = tpu.vector_load %arg11[%swap3A] {strides = array<i32>} : memref<9408xi32, #tpu.memory_space<vmem>>, vector<16xi32>,
    %swap3A_16 = vector.shape_cast %swap3A_15 : vector<16xi32> to vector<16xi32>
    %swap3A_17 = vector.shape_cast %broadcast_in_dim3A_6 : vector<16xi32> to vector<16xi32>
    tpu.vector_store %arg11[%swap3A], %swap3A_17 {strides = array<i32>} : memref<9408xi32, #tpu.memory_space<vmem>>, vector<16xi32>,
    %scan3A_18 = arith.constant 585 : i32
    %scan3A_19 = arith.addi %scan3A_7, %scan3A_18 : i32
    %mul3A_20 = arith.constant 16 : i32
    %mul3A_21 = arith.muli %scan3A_19, %mul3A_20 : i32
    %multiple_of3A_22 = tpu.assume_multiple %mul3A_21, 16 : i32
    %swap3A_23 = arith.index_cast %multiple_of3A_22 : i32 to index
    %swap3A_24 = tpu.vector_load %arg11[%swap3A_23] {strides = array<i32>} : memref<9408xi32, #tpu.memory_space<vmem>>, vector<16xi32>,
    %swap3A_25 = vector.shape_cast %swap3A_24 : vector<16xi32> to vector<16xi32>
    %swap3A_26 = vector.shape_cast %broadcast_in_dim3A_6 : vector<16xi32> to vector<16xi32>
    tpu.vector_store %arg11[%swap3A_23], %swap3A_26 {strides = array<i32>} : memref<9408xi32, #tpu.memory_space<vmem>>, vector<16xi32>,
    %scan3A_27 = arith.constant 586 : i32
    %scan3A_28 = arith.addi %scan3A_7, %scan3A_27 : i32
    %mul3A_29 = arith.constant 16 : i32
    %mul3A_30 = arith.muli %scan3A_28, %mul3A_29 : i32
    %multiple_of3A_31 = tpu.assume_multiple %mul3A_30, 16 : i32
    %swap3A_32 = arith.index_cast %multiple_of3A_31 : i32 to index
    %swap3A_33 = tpu.vector_load %arg11[%swap3A_32] {strides = array<i32>} : memref<9408xi32, #tpu.memory_space<vmem>>, vector<16xi32>,
    %swap3A_34 = vector.shape_cast %swap3A_33 : vector<16xi32> to vector<16xi32>
    %swap3A_35 = vector.shape_cast %broadcast_in_dim3A_6 : vector<16xi32> to vector<16xi32>
    tpu.vector_store %arg11[%swap3A_32], %swap3A_35 {strides = array<i32>} : memref<9408xi32, #tpu.memory_space<vmem>>, vector<16xi32>,
    %scan3A_36 = arith.constant 587 : i32
    %scan3A_37 = arith.addi %scan3A_7, %scan3A_36 : i32
    %mul3A_38 = arith.constant 16 : i32
    %mul3A_39 = arith.muli %scan3A_37, %mul3A_38 : i32
    %multiple_of3A_40 = tpu.assume_multiple %mul3A_39, 16 : i32
    %swap3A_41 = arith.index_cast %multiple_of3A_40 : i32 to index
    %swap3A_42 = tpu.vector_load %arg11[%swap3A_41] {strides = array<i32>} : memref<9408xi32, #tpu.memory_space<vmem>>, vector<16xi32>,
    %swap3A_43 = vector.shape_cast %swap3A_42 : vector<16xi32> to vector<16xi32>
    %swap3A_44 = vector.shape_cast %broadcast_in_dim3A_6 : vector<16xi32> to vector<16xi32>
    tpu.vector_store %arg11[%swap3A_41], %swap3A_44 {strides = array<i32>} : memref<9408xi32, #tpu.memory_space<vmem>>, vector<16xi32>,
    %scan3A_45 = arith.constant 588 : i32
    %mul3A_46 = arith.constant 75264 : i32
    %mul3A_47 = arith.muli %arg1, %mul3A_46 : i32
    %add3A = arith.constant 0 : i32
    %add3A_48 = arith.addi %mul3A_47, %add3A : i32
    "tpu.region"() ({
      %run_scoped3A = tpu.sem_alloc : memref<!tpu.dma_semaphore, #tpu.memory_space<semaphore_mem>>
      %dma_start3A = tpu.memref_slice %arg4[%add3A_48] : memref<1212416xi32, #tpu.memory_space<vmem_shared>> -> memref<9408xi32, #tpu.memory_space<vmem_shared>>
      %dma_start3A_92 = tpu.memref_slice %arg4[%add3A_48] : memref<1212416xi32, #tpu.memory_space<vmem_shared>> -> memref<9408xi32, #tpu.memory_space<vmem_shared>>
      tpu.enqueue_dma source(%arg11 : memref<9408xi32, #tpu.memory_space<vmem>>) target(%dma_start3A_92 : memref<9408xi32, #tpu.memory_space<vmem_shared>>) target_semaphore(%run_scoped3A : memref<!tpu.dma_semaphore, #tpu.memory_space<semaphore_mem>>)
      %dma_wait3A_93 = tpu.memref_slice %arg4[%add3A_48] : memref<1212416xi32, #tpu.memory_space<vmem_shared>> -> memref<9408xi32, #tpu.memory_space<vmem_shared>>
      %dma_wait3A_94 = tpu.memref_slice %arg4[%add3A_48] : memref<1212416xi32, #tpu.memory_space<vmem_shared>> -> memref<9408xi32, #tpu.memory_space<vmem_shared>>
      tpu.wait_dma2 semaphore(%run_scoped3A : memref<!tpu.dma_semaphore, #tpu.memory_space<semaphore_mem>>) src(%arg11 : memref<9408xi32, #tpu.memory_space<vmem>>) dst(%dma_wait3A_94 : memref<9408xi32, #tpu.memory_space<vmem_shared>>)
      tpu.yield
    }) : () -> ()
    %mul3A_49 = arith.constant 75264 : i32
    %mul3A_50 = arith.muli %arg1, %mul3A_49 : i32
    %add3A_51 = arith.constant 9408 : i32
    %add3A_52 = arith.addi %mul3A_50, %add3A_51 : i32
    "tpu.region"() ({
      %run_scoped3A = tpu.sem_alloc : memref<!tpu.dma_semaphore, #tpu.memory_space<semaphore_mem>>
      %dma_start3A = tpu.memref_slice %arg4[%add3A_52] : memref<1212416xi32, #tpu.memory_space<vmem_shared>> -> memref<9408xi32, #tpu.memory_space<vmem_shared>>
      %dma_start3A_92 = tpu.memref_slice %arg4[%add3A_52] : memref<1212416xi32, #tpu.memory_space<vmem_shared>> -> memref<9408xi32, #tpu.memory_space<vmem_shared>>
      tpu.enqueue_dma source(%arg11 : memref<9408xi32, #tpu.memory_space<vmem>>) target(%dma_start3A_92 : memref<9408xi32, #tpu.memory_space<vmem_shared>>) target_semaphore(%run_scoped3A : memref<!tpu.dma_semaphore, #tpu.memory_space<semaphore_mem>>)
      %dma_wait3A_93 = tpu.memref_slice %arg4[%add3A_52] : memref<1212416xi32, #tpu.memory_space<vmem_shared>> -> memref<9408xi32, #tpu.memory_space<vmem_shared>>
      %dma_wait3A_94 = tpu.memref_slice %arg4[%add3A_52] : memref<1212416xi32, #tpu.memory_space<vmem_shared>> -> memref<9408xi32, #tpu.memory_space<vmem_shared>>
      tpu.wait_dma2 semaphore(%run_scoped3A : memref<!tpu.dma_semaphore, #tpu.memory_space<semaphore_mem>>) src(%arg11 : memref<9408xi32, #tpu.memory_space<vmem>>) dst(%dma_wait3A_94 : memref<9408xi32, #tpu.memory_space<vmem_shared>>)
      tpu.yield
    }) : () -> ()
    %mul3A_53 = arith.constant 75264 : i32
    %mul3A_54 = arith.muli %arg1, %mul3A_53 : i32
    %add3A_55 = arith.constant 18816 : i32
    %add3A_56 = arith.addi %mul3A_54, %add3A_55 : i32
    "tpu.region"() ({
      %run_scoped3A = tpu.sem_alloc : memref<!tpu.dma_semaphore, #tpu.memory_space<semaphore_mem>>
      %dma_start3A = tpu.memref_slice %arg4[%add3A_56] : memref<1212416xi32, #tpu.memory_space<vmem_shared>> -> memref<9408xi32, #tpu.memory_space<vmem_shared>>
      %dma_start3A_92 = tpu.memref_slice %arg4[%add3A_56] : memref<1212416xi32, #tpu.memory_space<vmem_shared>> -> memref<9408xi32, #tpu.memory_space<vmem_shared>>
      tpu.enqueue_dma source(%arg11 : memref<9408xi32, #tpu.memory_space<vmem>>) target(%dma_start3A_92 : memref<9408xi32, #tpu.memory_space<vmem_shared>>) target_semaphore(%run_scoped3A : memref<!tpu.dma_semaphore, #tpu.memory_space<semaphore_mem>>)
      %dma_wait3A_93 = tpu.memref_slice %arg4[%add3A_56] : memref<1212416xi32, #tpu.memory_space<vmem_shared>> -> memref<9408xi32, #tpu.memory_space<vmem_shared>>
      %dma_wait3A_94 = tpu.memref_slice %arg4[%add3A_56] : memref<1212416xi32, #tpu.memory_space<vmem_shared>> -> memref<9408xi32, #tpu.memory_space<vmem_shared>>
      tpu.wait_dma2 semaphore(%run_scoped3A : memref<!tpu.dma_semaphore, #tpu.memory_space<semaphore_mem>>) src(%arg11 : memref<9408xi32, #tpu.memory_space<vmem>>) dst(%dma_wait3A_94 : memref<9408xi32, #tpu.memory_space<vmem_shared>>)
      tpu.yield
    }) : () -> ()
    %mul3A_57 = arith.constant 75264 : i32
    %mul3A_58 = arith.muli %arg1, %mul3A_57 : i32
    %add3A_59 = arith.constant 28224 : i32
    %add3A_60 = arith.addi %mul3A_58, %add3A_59 : i32
    "tpu.region"() ({
      %run_scoped3A = tpu.sem_alloc : memref<!tpu.dma_semaphore, #tpu.memory_space<semaphore_mem>>
      %dma_start3A = tpu.memref_slice %arg4[%add3A_60] : memref<1212416xi32, #tpu.memory_space<vmem_shared>> -> memref<9408xi32, #tpu.memory_space<vmem_shared>>
      %dma_start3A_92 = tpu.memref_slice %arg4[%add3A_60] : memref<1212416xi32, #tpu.memory_space<vmem_shared>> -> memref<9408xi32, #tpu.memory_space<vmem_shared>>
      tpu.enqueue_dma source(%arg11 : memref<9408xi32, #tpu.memory_space<vmem>>) target(%dma_start3A_92 : memref<9408xi32, #tpu.memory_space<vmem_shared>>) target_semaphore(%run_scoped3A : memref<!tpu.dma_semaphore, #tpu.memory_space<semaphore_mem>>)
      %dma_wait3A_93 = tpu.memref_slice %arg4[%add3A_60] : memref<1212416xi32, #tpu.memory_space<vmem_shared>> -> memref<9408xi32, #tpu.memory_space<vmem_shared>>
      %dma_wait3A_94 = tpu.memref_slice %arg4[%add3A_60] : memref<1212416xi32, #tpu.memory_space<vmem_shared>> -> memref<9408xi32, #tpu.memory_space<vmem_shared>>
      tpu.wait_dma2 semaphore(%run_scoped3A : memref<!tpu.dma_semaphore, #tpu.memory_space<semaphore_mem>>) src(%arg11 : memref<9408xi32, #tpu.memory_space<vmem>>) dst(%dma_wait3A_94 : memref<9408xi32, #tpu.memory_space<vmem_shared>>)
      tpu.yield
    }) : () -> ()
    %mul3A_61 = arith.constant 75264 : i32
    %mul3A_62 = arith.muli %arg1, %mul3A_61 : i32
    %add3A_63 = arith.constant 37632 : i32
    %add3A_64 = arith.addi %mul3A_62, %add3A_63 : i32
    "tpu.region"() ({
      %run_scoped3A = tpu.sem_alloc : memref<!tpu.dma_semaphore, #tpu.memory_space<semaphore_mem>>
      %dma_start3A = tpu.memref_slice %arg4[%add3A_64] : memref<1212416xi32, #tpu.memory_space<vmem_shared>> -> memref<9408xi32, #tpu.memory_space<vmem_shared>>
      %dma_start3A_92 = tpu.memref_slice %arg4[%add3A_64] : memref<1212416xi32, #tpu.memory_space<vmem_shared>> -> memref<9408xi32, #tpu.memory_space<vmem_shared>>
      tpu.enqueue_dma source(%arg11 : memref<9408xi32, #tpu.memory_space<vmem>>) target(%dma_start3A_92 : memref<9408xi32, #tpu.memory_space<vmem_shared>>) target_semaphore(%run_scoped3A : memref<!tpu.dma_semaphore, #tpu.memory_space<semaphore_mem>>)
      %dma_wait3A_93 = tpu.memref_slice %arg4[%add3A_64] : memref<1212416xi32, #tpu.memory_space<vmem_shared>> -> memref<9408xi32, #tpu.memory_space<vmem_shared>>
      %dma_wait3A_94 = tpu.memref_slice %arg4[%add3A_64] : memref<1212416xi32, #tpu.memory_space<vmem_shared>> -> memref<9408xi32, #tpu.memory_space<vmem_shared>>
      tpu.wait_dma2 semaphore(%run_scoped3A : memref<!tpu.dma_semaphore, #tpu.memory_space<semaphore_mem>>) src(%arg11 : memref<9408xi32, #tpu.memory_space<vmem>>) dst(%dma_wait3A_94 : memref<9408xi32, #tpu.memory_space<vmem_shared>>)
      tpu.yield
    }) : () -> ()
    %mul3A_65 = arith.constant 75264 : i32
    %mul3A_66 = arith.muli %arg1, %mul3A_65 : i32
    %add3A_67 = arith.constant 47040 : i32
    %add3A_68 = arith.addi %mul3A_66, %add3A_67 : i32
    "tpu.region"() ({
      %run_scoped3A = tpu.sem_alloc : memref<!tpu.dma_semaphore, #tpu.memory_space<semaphore_mem>>
      %dma_start3A = tpu.memref_slice %arg4[%add3A_68] : memref<1212416xi32, #tpu.memory_space<vmem_shared>> -> memref<9408xi32, #tpu.memory_space<vmem_shared>>
      %dma_start3A_92 = tpu.memref_slice %arg4[%add3A_68] : memref<1212416xi32, #tpu.memory_space<vmem_shared>> -> memref<9408xi32, #tpu.memory_space<vmem_shared>>
      tpu.enqueue_dma source(%arg11 : memref<9408xi32, #tpu.memory_space<vmem>>) target(%dma_start3A_92 : memref<9408xi32, #tpu.memory_space<vmem_shared>>) target_semaphore(%run_scoped3A : memref<!tpu.dma_semaphore, #tpu.memory_space<semaphore_mem>>)
      %dma_wait3A_93 = tpu.memref_slice %arg4[%add3A_68] : memref<1212416xi32, #tpu.memory_space<vmem_shared>> -> memref<9408xi32, #tpu.memory_space<vmem_shared>>
      %dma_wait3A_94 = tpu.memref_slice %arg4[%add3A_68] : memref<1212416xi32, #tpu.memory_space<vmem_shared>> -> memref<9408xi32, #tpu.memory_space<vmem_shared>>
      tpu.wait_dma2 semaphore(%run_scoped3A : memref<!tpu.dma_semaphore, #tpu.memory_space<semaphore_mem>>) src(%arg11 : memref<9408xi32, #tpu.memory_space<vmem>>) dst(%dma_wait3A_94 : memref<9408xi32, #tpu.memory_space<vmem_shared>>)
      tpu.yield
    }) : () -> ()
    %mul3A_69 = arith.constant 75264 : i32
    %mul3A_70 = arith.muli %arg1, %mul3A_69 : i32
    %add3A_71 = arith.constant 56448 : i32
    %add3A_72 = arith.addi %mul3A_70, %add3A_71 : i32
    "tpu.region"() ({
      %run_scoped3A = tpu.sem_alloc : memref<!tpu.dma_semaphore, #tpu.memory_space<semaphore_mem>>
      %dma_start3A = tpu.memref_slice %arg4[%add3A_72] : memref<1212416xi32, #tpu.memory_space<vmem_shared>> -> memref<9408xi32, #tpu.memory_space<vmem_shared>>
      %dma_start3A_92 = tpu.memref_slice %arg4[%add3A_72] : memref<1212416xi32, #tpu.memory_space<vmem_shared>> -> memref<9408xi32, #tpu.memory_space<vmem_shared>>
      tpu.enqueue_dma source(%arg11 : memref<9408xi32, #tpu.memory_space<vmem>>) target(%dma_start3A_92 : memref<9408xi32, #tpu.memory_space<vmem_shared>>) target_semaphore(%run_scoped3A : memref<!tpu.dma_semaphore, #tpu.memory_space<semaphore_mem>>)
      %dma_wait3A_93 = tpu.memref_slice %arg4[%add3A_72] : memref<1212416xi32, #tpu.memory_space<vmem_shared>> -> memref<9408xi32, #tpu.memory_space<vmem_shared>>
      %dma_wait3A_94 = tpu.memref_slice %arg4[%add3A_72] : memref<1212416xi32, #tpu.memory_space<vmem_shared>> -> memref<9408xi32, #tpu.memory_space<vmem_shared>>
      tpu.wait_dma2 semaphore(%run_scoped3A : memref<!tpu.dma_semaphore, #tpu.memory_space<semaphore_mem>>) src(%arg11 : memref<9408xi32, #tpu.memory_space<vmem>>) dst(%dma_wait3A_94 : memref<9408xi32, #tpu.memory_space<vmem_shared>>)
      tpu.yield
    }) : () -> ()
    %mul3A_73 = arith.constant 75264 : i32
    %mul3A_74 = arith.muli %arg1, %mul3A_73 : i32
    %add3A_75 = arith.constant 65856 : i32
    %add3A_76 = arith.addi %mul3A_74, %add3A_75 : i32
    "tpu.region"() ({
      %run_scoped3A = tpu.sem_alloc : memref<!tpu.dma_semaphore, #tpu.memory_space<semaphore_mem>>
      %dma_start3A = tpu.memref_slice %arg4[%add3A_76] : memref<1212416xi32, #tpu.memory_space<vmem_shared>> -> memref<9408xi32, #tpu.memory_space<vmem_shared>>
      %dma_start3A_92 = tpu.memref_slice %arg4[%add3A_76] : memref<1212416xi32, #tpu.memory_space<vmem_shared>> -> memref<9408xi32, #tpu.memory_space<vmem_shared>>
      tpu.enqueue_dma source(%arg11 : memref<9408xi32, #tpu.memory_space<vmem>>) target(%dma_start3A_92 : memref<9408xi32, #tpu.memory_space<vmem_shared>>) target_semaphore(%run_scoped3A : memref<!tpu.dma_semaphore, #tpu.memory_space<semaphore_mem>>)
      %dma_wait3A_93 = tpu.memref_slice %arg4[%add3A_76] : memref<1212416xi32, #tpu.memory_space<vmem_shared>> -> memref<9408xi32, #tpu.memory_space<vmem_shared>>
      %dma_wait3A_94 = tpu.memref_slice %arg4[%add3A_76] : memref<1212416xi32, #tpu.memory_space<vmem_shared>> -> memref<9408xi32, #tpu.memory_space<vmem_shared>>
      tpu.wait_dma2 semaphore(%run_scoped3A : memref<!tpu.dma_semaphore, #tpu.memory_space<semaphore_mem>>) src(%arg11 : memref<9408xi32, #tpu.memory_space<vmem>>) dst(%dma_wait3A_94 : memref<9408xi32, #tpu.memory_space<vmem_shared>>)
      tpu.yield
    }) : () -> ()
    %barrier3A = arith.constant 0 : index
    tpu.barrier barrier_id(%barrier3A)
    %scan3A_77 = arith.constant 0 : i32
    %scan3A_78 = arith.constant 0 : i32
    %scan3A_79 = arith.constant 28 : i32
    %scan3A_80 = arith.addi %scan3A_78, %scan3A_79 : i32
    %scan3A_81 = arith.constant 1 : i32
    scf.for %scan3A_92 = %scan3A_78 to %scan3A_80 step %scan3A_81  : i32 {
      %gt3A = arith.constant 0 : i32
      %gt3A_93 = arith.cmpi sgt, %scan3A_92, %gt3A : i32
      %convert_element_type3A = arith.extui %gt3A_93 : i1 to i32
      %cond3A = arith.constant 0 : i32
      %cond3A_94 = arith.cmpi ne, %convert_element_type3A, %cond3A : i32
      scf.if %cond3A_94 {
        %dma_wait3A_129 = arith.constant 0 : i32
        %dma_wait3A_130 = tpu.memref_slice %arg4[%dma_wait3A_129] : memref<1212416xi32, #tpu.memory_space<vmem_shared>> -> memref<1212416xi32, #tpu.memory_space<vmem_shared>>
        tpu.wait_indirect_dma semaphore(%arg12 : memref<!tpu.dma_semaphore, #tpu.memory_space<semaphore_mem>>) src(%arg9 : memref<5376xi32, #tpu.memory_space<vmem>>) dst(%dma_wait3A_130 : memref<1212416xi32, #tpu.memory_space<vmem_shared>>)
      } else {
      }
      %mul3A_95 = arith.constant 2 : i32
      %mul3A_96 = arith.muli %scan3A_92, %mul3A_95 : i32
      %add3A_97 = arith.constant 0 : i32
      %add3A_98 = arith.addi %mul3A_96, %add3A_97 : i32
      %mul3A_99 = arith.constant 5376 : i32
      %mul3A_100 = arith.muli %add3A_98, %mul3A_99 : i32
      %add3A_101 = arith.addi %mul3A_3, %mul3A_100 : i32
      "tpu.region"() ({
        %run_scoped3A = tpu.sem_alloc : memref<!tpu.dma_semaphore, #tpu.memory_space<semaphore_mem>>
        %dma_start3A_129 = tpu.memref_slice %arg2[%add3A_101] : memref<4816896xi32, #tpu.memory_space<hbm>> -> memref<5376xi32, #tpu.memory_space<hbm>>
        %dma_start3A_130 = tpu.memref_slice %arg2[%add3A_101] : memref<4816896xi32, #tpu.memory_space<hbm>> -> memref<5376xi32, #tpu.memory_space<hbm>>
        tpu.enqueue_dma source(%dma_start3A_130 : memref<5376xi32, #tpu.memory_space<hbm>>) target(%arg5 : memref<5376xi32, #tpu.memory_space<vmem>>) target_semaphore(%run_scoped3A : memref<!tpu.dma_semaphore, #tpu.memory_space<semaphore_mem>>)
        %dma_wait3A_131 = tpu.memref_slice %arg2[%add3A_101] : memref<4816896xi32, #tpu.memory_space<hbm>> -> memref<5376xi32, #tpu.memory_space<hbm>>
        %dma_wait3A_132 = tpu.memref_slice %arg2[%add3A_101] : memref<4816896xi32, #tpu.memory_space<hbm>> -> memref<5376xi32, #tpu.memory_space<hbm>>
        tpu.wait_dma2 semaphore(%run_scoped3A : memref<!tpu.dma_semaphore, #tpu.memory_space<semaphore_mem>>) src(%dma_wait3A_132 : memref<5376xi32, #tpu.memory_space<hbm>>) dst(%arg5 : memref<5376xi32, #tpu.memory_space<vmem>>)
        tpu.yield
      }) : () -> ()
      %scan3A_102 = arith.constant 0 : i32
      %scan3A_103 = arith.constant 0 : i32
      %scan3A_104 = arith.constant 336 : i32
      %scan3A_105 = arith.addi %scan3A_103, %scan3A_104 : i32
      %scan3A_106 = arith.constant 4 : i32
      scf.for %scan3A_129 = %scan3A_103 to %scan3A_105 step %scan3A_106  : i32 {
        %mul3A_130 = arith.constant 16 : i32
        %mul3A_131 = arith.muli %scan3A_129, %mul3A_130 : i32
        %multiple_of3A_132 = tpu.assume_multiple %mul3A_131, 16 : i32
        %get3A = arith.index_cast %multiple_of3A_132 : i32 to index
        %get3A_133 = tpu.vector_load %arg5[%get3A] {strides = array<i32>} : memref<5376xi32, #tpu.memory_space<vmem>>, vector<16xi32>,
        %get3A_134 = vector.shape_cast %get3A_133 : vector<16xi32> to vector<16xi32>
        %convert_element_type3A_135 = arith.sitofp %get3A_134 : vector<16xi32> to vector<16xf32>
        %mul3A_136 = arith.constant 0.010416667 : f32
        %mul3A_137 = vector.broadcast %mul3A_136 : f32 to vector<16xf32>
        %mul3A_138 = arith.mulf %convert_element_type3A_135, %mul3A_137 : vector<16xf32>
        %convert_element_type3A_139 = arith.fptosi %mul3A_138 : vector<16xf32> to vector<16xi32>
        %mul3A_140 = arith.constant 96 : i32
        %mul3A_141 = vector.broadcast %mul3A_140 : i32 to vector<16xi32>
        %mul3A_142 = arith.muli %convert_element_type3A_139, %mul3A_141 : vector<16xi32>
        %sub3A = arith.subi %get3A_134, %mul3A_142 : vector<16xi32>
        %convert_element_type3A_143 = arith.sitofp %convert_element_type3A_139 : vector<16xi32> to vector<16xf32>
        %mul3A_144 = arith.constant 0.00446428778 : f32
        %mul3A_145 = vector.broadcast %mul3A_144 : f32 to vector<16xf32>
        %mul3A_146 = arith.mulf %convert_element_type3A_143, %mul3A_145 : vector<16xf32>
        %convert_element_type3A_147 = arith.fptosi %mul3A_146 : vector<16xf32> to vector<16xi32>
        %mul3A_148 = arith.constant 224 : i32
        %mul3A_149 = vector.broadcast %mul3A_148 : i32 to vector<16xi32>
        %mul3A_150 = arith.muli %convert_element_type3A_147, %mul3A_149 : vector<16xi32>
        %sub3A_151 = arith.subi %convert_element_type3A_139, %mul3A_150 : vector<16xi32>
        %shift_right_logical3A = arith.constant 2 : i32
        %shift_right_logical3A_152 = vector.broadcast %shift_right_logical3A : i32 to vector<16xi32>
        %shift_right_logical3A_153 = arith.shrui %convert_element_type3A_147, %shift_right_logical3A_152 : vector<16xi32>
        %mul3A_154 = arith.constant 10752 : i32
        %mul3A_155 = vector.broadcast %mul3A_154 : i32 to vector<16xi32>
        %mul3A_156 = arith.muli %shift_right_logical3A_153, %mul3A_155 : vector<16xi32>
        %shift_right_logical3A_157 = arith.constant 1 : i32
        %shift_right_logical3A_158 = vector.broadcast %shift_right_logical3A_157 : i32 to vector<16xi32>
        %shift_right_logical3A_159 = arith.shrui %sub3A_151, %shift_right_logical3A_158 : vector<16xi32>
        %mul3A_160 = arith.constant 96 : i32
        %mul3A_161 = vector.broadcast %mul3A_160 : i32 to vector<16xi32>
        %mul3A_162 = arith.muli %shift_right_logical3A_159, %mul3A_161 : vector<16xi32>
        %add3A_163 = arith.addi %mul3A_156, %mul3A_162 : vector<16xi32>
        %add3A_164 = arith.addi %add3A_163, %sub3A : vector<16xi32>
        %add3A_165 = vector.broadcast %mul3A_1 : i32 to vector<16xi32>
        %add3A_166 = arith.addi %add3A_164, %add3A_165 : vector<16xi32>
        %sub3A_167 = vector.broadcast %mul3A_5 : i32 to vector<16xi32>
        %sub3A_168 = arith.subi %add3A_166, %sub3A_167 : vector<16xi32>
        %ge3A = arith.constant 0 : i32
        %ge3A_169 = vector.broadcast %ge3A : i32 to vector<16xi32>
        %ge3A_170 = arith.cmpi sge, %sub3A_168, %ge3A_169 : vector<16xi32>
        %lt3A = arith.constant 1204224 : i32
        %lt3A_171 = vector.broadcast %lt3A : i32 to vector<16xi32>
        %lt3A_172 = arith.cmpi slt, %sub3A_168, %lt3A_171 : vector<16xi32>
        %and3A = arith.andi %ge3A_170, %lt3A_172 : vector<16xi1>
        %and3A_173 = arith.constant 8191 : i32
        %and3A_174 = vector.broadcast %and3A_173 : i32 to vector<16xi32>
        %and3A_175 = arith.andi %get3A_134, %and3A_174 : vector<16xi32>
        %add3A_176 = arith.constant 1204224 : i32
        %add3A_177 = vector.broadcast %add3A_176 : i32 to vector<16xi32>
        %add3A_178 = arith.addi %add3A_177, %and3A_175 : vector<16xi32>
        %select_n3A = arith.select %and3A, %sub3A_168, %add3A_178 : vector<16xi1>, vector<16xi32>
        %swap3A_179 = arith.index_cast %multiple_of3A_132 : i32 to index
        %swap3A_180 = tpu.vector_load %arg7[%swap3A_179] {strides = array<i32>} : memref<5376xi32, #tpu.memory_space<vmem>>, vector<16xi32>,
        %swap3A_181 = vector.shape_cast %swap3A_180 : vector<16xi32> to vector<16xi32>
        %swap3A_182 = vector.shape_cast %select_n3A : vector<16xi32> to vector<16xi32>
        tpu.vector_store %arg7[%swap3A_179], %swap3A_182 {strides = array<i32>} : memref<5376xi32, #tpu.memory_space<vmem>>, vector<16xi32>,
        %and3A_183 = arith.constant 1 : i32
        %and3A_184 = vector.broadcast %and3A_183 : i32 to vector<16xi32>
        %and3A_185 = arith.andi %sub3A_151, %and3A_184 : vector<16xi32>
        %ne3A = arith.constant 0 : i32
        %ne3A_186 = vector.broadcast %ne3A : i32 to vector<16xi32>
        %ne3A_187 = arith.cmpi ne, %and3A_185, %ne3A_186 : vector<16xi32>
        %jit3A = arith.constant 16 : i32
        %jit3A_188 = arith.constant 1 : i32
        %broadcast_in_dim3A_189 = vector.broadcast %jit3A : i32 to vector<16xi32>
        %broadcast_in_dim3A_190 = vector.broadcast %jit3A_188 : i32 to vector<16xi32>
        %select_n3A_191 = arith.select %ne3A_187, %broadcast_in_dim3A_189, %broadcast_in_dim3A_190 : vector<16xi1>, vector<16xi32>
        %and3A_192 = arith.constant 2 : i32
        %and3A_193 = vector.broadcast %and3A_192 : i32 to vector<16xi32>
        %and3A_194 = arith.andi %convert_element_type3A_147, %and3A_193 : vector<16xi32>
        %ne3A_195 = arith.constant 0 : i32
        %ne3A_196 = vector.broadcast %ne3A_195 : i32 to vector<16xi32>
        %ne3A_197 = arith.cmpi ne, %and3A_194, %ne3A_196 : vector<16xi32>
        %jit3A_198 = arith.constant 256 : i32
        %jit3A_199 = arith.constant 1 : i32
        %broadcast_in_dim3A_200 = vector.broadcast %jit3A_198 : i32 to vector<16xi32>
        %broadcast_in_dim3A_201 = vector.broadcast %jit3A_199 : i32 to vector<16xi32>
        %select_n3A_202 = arith.select %ne3A_197, %broadcast_in_dim3A_200, %broadcast_in_dim3A_201 : vector<16xi1>, vector<16xi32>
        %mul3A_203 = arith.muli %select_n3A_191, %select_n3A_202 : vector<16xi32>
        %and3A_204 = arith.constant 1 : i32
        %and3A_205 = vector.broadcast %and3A_204 : i32 to vector<16xi32>
        %and3A_206 = arith.andi %convert_element_type3A_147, %and3A_205 : vector<16xi32>
        %ne3A_207 = arith.constant 0 : i32
        %ne3A_208 = vector.broadcast %ne3A_207 : i32 to vector<16xi32>
        %ne3A_209 = arith.cmpi ne, %and3A_206, %ne3A_208 : vector<16xi32>
        %jit3A_210 = arith.constant 65536 : i32
        %jit3A_211 = arith.constant 1 : i32
        %broadcast_in_dim3A_212 = vector.broadcast %jit3A_210 : i32 to vector<16xi32>
        %broadcast_in_dim3A_213 = vector.broadcast %jit3A_211 : i32 to vector<16xi32>
        %select_n3A_214 = arith.select %ne3A_209, %broadcast_in_dim3A_212, %broadcast_in_dim3A_213 : vector<16xi1>, vector<16xi32>
        %mul3A_215 = arith.muli %mul3A_203, %select_n3A_214 : vector<16xi32>
        %swap3A_216 = arith.index_cast %multiple_of3A_132 : i32 to index
        %swap3A_217 = tpu.vector_load %arg9[%swap3A_216] {strides = array<i32>} : memref<5376xi32, #tpu.memory_space<vmem>>, vector<16xi32>,
        %swap3A_218 = vector.shape_cast %swap3A_217 : vector<16xi32> to vector<16xi32>
        %swap3A_219 = vector.shape_cast %mul3A_215 : vector<16xi32> to vector<16xi32>
        tpu.vector_store %arg9[%swap3A_216], %swap3A_219 {strides = array<i32>} : memref<5376xi32, #tpu.memory_space<vmem>>, vector<16xi32>,
        %scan3A_220 = arith.constant 1 : i32
        %scan3A_221 = arith.addi %scan3A_129, %scan3A_220 : i32
        %mul3A_222 = arith.constant 16 : i32
        %mul3A_223 = arith.muli %scan3A_221, %mul3A_222 : i32
        %multiple_of3A_224 = tpu.assume_multiple %mul3A_223, 16 : i32
        %get3A_225 = arith.index_cast %multiple_of3A_224 : i32 to index
        %get3A_226 = tpu.vector_load %arg5[%get3A_225] {strides = array<i32>} : memref<5376xi32, #tpu.memory_space<vmem>>, vector<16xi32>,
        %get3A_227 = vector.shape_cast %get3A_226 : vector<16xi32> to vector<16xi32>
        %convert_element_type3A_228 = arith.sitofp %get3A_227 : vector<16xi32> to vector<16xf32>
        %mul3A_229 = arith.constant 0.010416667 : f32
        %mul3A_230 = vector.broadcast %mul3A_229 : f32 to vector<16xf32>
        %mul3A_231 = arith.mulf %convert_element_type3A_228, %mul3A_230 : vector<16xf32>
        %convert_element_type3A_232 = arith.fptosi %mul3A_231 : vector<16xf32> to vector<16xi32>
        %mul3A_233 = arith.constant 96 : i32
        %mul3A_234 = vector.broadcast %mul3A_233 : i32 to vector<16xi32>
        %mul3A_235 = arith.muli %convert_element_type3A_232, %mul3A_234 : vector<16xi32>
        %sub3A_236 = arith.subi %get3A_227, %mul3A_235 : vector<16xi32>
        %convert_element_type3A_237 = arith.sitofp %convert_element_type3A_232 : vector<16xi32> to vector<16xf32>
        %mul3A_238 = arith.constant 0.00446428778 : f32
        %mul3A_239 = vector.broadcast %mul3A_238 : f32 to vector<16xf32>
        %mul3A_240 = arith.mulf %convert_element_type3A_237, %mul3A_239 : vector<16xf32>
        %convert_element_type3A_241 = arith.fptosi %mul3A_240 : vector<16xf32> to vector<16xi32>
        %mul3A_242 = arith.constant 224 : i32
        %mul3A_243 = vector.broadcast %mul3A_242 : i32 to vector<16xi32>
        %mul3A_244 = arith.muli %convert_element_type3A_241, %mul3A_243 : vector<16xi32>
        %sub3A_245 = arith.subi %convert_element_type3A_232, %mul3A_244 : vector<16xi32>
        %shift_right_logical3A_246 = arith.constant 2 : i32
        %shift_right_logical3A_247 = vector.broadcast %shift_right_logical3A_246 : i32 to vector<16xi32>
        %shift_right_logical3A_248 = arith.shrui %convert_element_type3A_241, %shift_right_logical3A_247 : vector<16xi32>
        %mul3A_249 = arith.constant 10752 : i32
        %mul3A_250 = vector.broadcast %mul3A_249 : i32 to vector<16xi32>
        %mul3A_251 = arith.muli %shift_right_logical3A_248, %mul3A_250 : vector<16xi32>
        %shift_right_logical3A_252 = arith.constant 1 : i32
        %shift_right_logical3A_253 = vector.broadcast %shift_right_logical3A_252 : i32 to vector<16xi32>
        %shift_right_logical3A_254 = arith.shrui %sub3A_245, %shift_right_logical3A_253 : vector<16xi32>
        %mul3A_255 = arith.constant 96 : i32
        %mul3A_256 = vector.broadcast %mul3A_255 : i32 to vector<16xi32>
        %mul3A_257 = arith.muli %shift_right_logical3A_254, %mul3A_256 : vector<16xi32>
        %add3A_258 = arith.addi %mul3A_251, %mul3A_257 : vector<16xi32>
        %add3A_259 = arith.addi %add3A_258, %sub3A_236 : vector<16xi32>
        %add3A_260 = vector.broadcast %mul3A_1 : i32 to vector<16xi32>
        %add3A_261 = arith.addi %add3A_259, %add3A_260 : vector<16xi32>
        %sub3A_262 = vector.broadcast %mul3A_5 : i32 to vector<16xi32>
        %sub3A_263 = arith.subi %add3A_261, %sub3A_262 : vector<16xi32>
        %ge3A_264 = arith.constant 0 : i32
        %ge3A_265 = vector.broadcast %ge3A_264 : i32 to vector<16xi32>
        %ge3A_266 = arith.cmpi sge, %sub3A_263, %ge3A_265 : vector<16xi32>
        %lt3A_267 = arith.constant 1204224 : i32
        %lt3A_268 = vector.broadcast %lt3A_267 : i32 to vector<16xi32>
        %lt3A_269 = arith.cmpi slt, %sub3A_263, %lt3A_268 : vector<16xi32>
        %and3A_270 = arith.andi %ge3A_266, %lt3A_269 : vector<16xi1>
        %and3A_271 = arith.constant 8191 : i32
        %and3A_272 = vector.broadcast %and3A_271 : i32 to vector<16xi32>
        %and3A_273 = arith.andi %get3A_227, %and3A_272 : vector<16xi32>
        %add3A_274 = arith.constant 1204224 : i32
        %add3A_275 = vector.broadcast %add3A_274 : i32 to vector<16xi32>
        %add3A_276 = arith.addi %add3A_275, %and3A_273 : vector<16xi32>
        %select_n3A_277 = arith.select %and3A_270, %sub3A_263, %add3A_276 : vector<16xi1>, vector<16xi32>
        %swap3A_278 = arith.index_cast %multiple_of3A_224 : i32 to index
        %swap3A_279 = tpu.vector_load %arg7[%swap3A_278] {strides = array<i32>} : memref<5376xi32, #tpu.memory_space<vmem>>, vector<16xi32>,
        %swap3A_280 = vector.shape_cast %swap3A_279 : vector<16xi32> to vector<16xi32>
        %swap3A_281 = vector.shape_cast %select_n3A_277 : vector<16xi32> to vector<16xi32>
        tpu.vector_store %arg7[%swap3A_278], %swap3A_281 {strides = array<i32>} : memref<5376xi32, #tpu.memory_space<vmem>>, vector<16xi32>,
        %and3A_282 = arith.constant 1 : i32
        %and3A_283 = vector.broadcast %and3A_282 : i32 to vector<16xi32>
        %and3A_284 = arith.andi %sub3A_245, %and3A_283 : vector<16xi32>
        %ne3A_285 = arith.constant 0 : i32
        %ne3A_286 = vector.broadcast %ne3A_285 : i32 to vector<16xi32>
        %ne3A_287 = arith.cmpi ne, %and3A_284, %ne3A_286 : vector<16xi32>
        %jit3A_288 = arith.constant 16 : i32
        %jit3A_289 = arith.constant 1 : i32
        %broadcast_in_dim3A_290 = vector.broadcast %jit3A_288 : i32 to vector<16xi32>
        %broadcast_in_dim3A_291 = vector.broadcast %jit3A_289 : i32 to vector<16xi32>
        %select_n3A_292 = arith.select %ne3A_287, %broadcast_in_dim3A_290, %broadcast_in_dim3A_291 : vector<16xi1>, vector<16xi32>
        %and3A_293 = arith.constant 2 : i32
        %and3A_294 = vector.broadcast %and3A_293 : i32 to vector<16xi32>
        %and3A_295 = arith.andi %convert_element_type3A_241, %and3A_294 : vector<16xi32>
        %ne3A_296 = arith.constant 0 : i32
        %ne3A_297 = vector.broadcast %ne3A_296 : i32 to vector<16xi32>
        %ne3A_298 = arith.cmpi ne, %and3A_295, %ne3A_297 : vector<16xi32>
        %jit3A_299 = arith.constant 256 : i32
        %jit3A_300 = arith.constant 1 : i32
        %broadcast_in_dim3A_301 = vector.broadcast %jit3A_299 : i32 to vector<16xi32>
        %broadcast_in_dim3A_302 = vector.broadcast %jit3A_300 : i32 to vector<16xi32>
        %select_n3A_303 = arith.select %ne3A_298, %broadcast_in_dim3A_301, %broadcast_in_dim3A_302 : vector<16xi1>, vector<16xi32>
        %mul3A_304 = arith.muli %select_n3A_292, %select_n3A_303 : vector<16xi32>
        %and3A_305 = arith.constant 1 : i32
        %and3A_306 = vector.broadcast %and3A_305 : i32 to vector<16xi32>
        %and3A_307 = arith.andi %convert_element_type3A_241, %and3A_306 : vector<16xi32>
        %ne3A_308 = arith.constant 0 : i32
        %ne3A_309 = vector.broadcast %ne3A_308 : i32 to vector<16xi32>
        %ne3A_310 = arith.cmpi ne, %and3A_307, %ne3A_309 : vector<16xi32>
        %jit3A_311 = arith.constant 65536 : i32
        %jit3A_312 = arith.constant 1 : i32
        %broadcast_in_dim3A_313 = vector.broadcast %jit3A_311 : i32 to vector<16xi32>
        %broadcast_in_dim3A_314 = vector.broadcast %jit3A_312 : i32 to vector<16xi32>
        %select_n3A_315 = arith.select %ne3A_310, %broadcast_in_dim3A_313, %broadcast_in_dim3A_314 : vector<16xi1>, vector<16xi32>
        %mul3A_316 = arith.muli %mul3A_304, %select_n3A_315 : vector<16xi32>
        %swap3A_317 = arith.index_cast %multiple_of3A_224 : i32 to index
        %swap3A_318 = tpu.vector_load %arg9[%swap3A_317] {strides = array<i32>} : memref<5376xi32, #tpu.memory_space<vmem>>, vector<16xi32>,
        %swap3A_319 = vector.shape_cast %swap3A_318 : vector<16xi32> to vector<16xi32>
        %swap3A_320 = vector.shape_cast %mul3A_316 : vector<16xi32> to vector<16xi32>
        tpu.vector_store %arg9[%swap3A_317], %swap3A_320 {strides = array<i32>} : memref<5376xi32, #tpu.memory_space<vmem>>, vector<16xi32>,
        %scan3A_321 = arith.constant 2 : i32
        %scan3A_322 = arith.addi %scan3A_129, %scan3A_321 : i32
        %mul3A_323 = arith.constant 16 : i32
        %mul3A_324 = arith.muli %scan3A_322, %mul3A_323 : i32
        %multiple_of3A_325 = tpu.assume_multiple %mul3A_324, 16 : i32
        %get3A_326 = arith.index_cast %multiple_of3A_325 : i32 to index
        %get3A_327 = tpu.vector_load %arg5[%get3A_326] {strides = array<i32>} : memref<5376xi32, #tpu.memory_space<vmem>>, vector<16xi32>,
        %get3A_328 = vector.shape_cast %get3A_327 : vector<16xi32> to vector<16xi32>
        %convert_element_type3A_329 = arith.sitofp %get3A_328 : vector<16xi32> to vector<16xf32>
        %mul3A_330 = arith.constant 0.010416667 : f32
        %mul3A_331 = vector.broadcast %mul3A_330 : f32 to vector<16xf32>
        %mul3A_332 = arith.mulf %convert_element_type3A_329, %mul3A_331 : vector<16xf32>
        %convert_element_type3A_333 = arith.fptosi %mul3A_332 : vector<16xf32> to vector<16xi32>
        %mul3A_334 = arith.constant 96 : i32
        %mul3A_335 = vector.broadcast %mul3A_334 : i32 to vector<16xi32>
        %mul3A_336 = arith.muli %convert_element_type3A_333, %mul3A_335 : vector<16xi32>
        %sub3A_337 = arith.subi %get3A_328, %mul3A_336 : vector<16xi32>
        %convert_element_type3A_338 = arith.sitofp %convert_element_type3A_333 : vector<16xi32> to vector<16xf32>
        %mul3A_339 = arith.constant 0.00446428778 : f32
        %mul3A_340 = vector.broadcast %mul3A_339 : f32 to vector<16xf32>
        %mul3A_341 = arith.mulf %convert_element_type3A_338, %mul3A_340 : vector<16xf32>
        %convert_element_type3A_342 = arith.fptosi %mul3A_341 : vector<16xf32> to vector<16xi32>
        %mul3A_343 = arith.constant 224 : i32
        %mul3A_344 = vector.broadcast %mul3A_343 : i32 to vector<16xi32>
        %mul3A_345 = arith.muli %convert_element_type3A_342, %mul3A_344 : vector<16xi32>
        %sub3A_346 = arith.subi %convert_element_type3A_333, %mul3A_345 : vector<16xi32>
        %shift_right_logical3A_347 = arith.constant 2 : i32
        %shift_right_logical3A_348 = vector.broadcast %shift_right_logical3A_347 : i32 to vector<16xi32>
        %shift_right_logical3A_349 = arith.shrui %convert_element_type3A_342, %shift_right_logical3A_348 : vector<16xi32>
        %mul3A_350 = arith.constant 10752 : i32
        %mul3A_351 = vector.broadcast %mul3A_350 : i32 to vector<16xi32>
        %mul3A_352 = arith.muli %shift_right_logical3A_349, %mul3A_351 : vector<16xi32>
        %shift_right_logical3A_353 = arith.constant 1 : i32
        %shift_right_logical3A_354 = vector.broadcast %shift_right_logical3A_353 : i32 to vector<16xi32>
        %shift_right_logical3A_355 = arith.shrui %sub3A_346, %shift_right_logical3A_354 : vector<16xi32>
        %mul3A_356 = arith.constant 96 : i32
        %mul3A_357 = vector.broadcast %mul3A_356 : i32 to vector<16xi32>
        %mul3A_358 = arith.muli %shift_right_logical3A_355, %mul3A_357 : vector<16xi32>
        %add3A_359 = arith.addi %mul3A_352, %mul3A_358 : vector<16xi32>
        %add3A_360 = arith.addi %add3A_359, %sub3A_337 : vector<16xi32>
        %add3A_361 = vector.broadcast %mul3A_1 : i32 to vector<16xi32>
        %add3A_362 = arith.addi %add3A_360, %add3A_361 : vector<16xi32>
        %sub3A_363 = vector.broadcast %mul3A_5 : i32 to vector<16xi32>
        %sub3A_364 = arith.subi %add3A_362, %sub3A_363 : vector<16xi32>
        %ge3A_365 = arith.constant 0 : i32
        %ge3A_366 = vector.broadcast %ge3A_365 : i32 to vector<16xi32>
        %ge3A_367 = arith.cmpi sge, %sub3A_364, %ge3A_366 : vector<16xi32>
        %lt3A_368 = arith.constant 1204224 : i32
        %lt3A_369 = vector.broadcast %lt3A_368 : i32 to vector<16xi32>
        %lt3A_370 = arith.cmpi slt, %sub3A_364, %lt3A_369 : vector<16xi32>
        %and3A_371 = arith.andi %ge3A_367, %lt3A_370 : vector<16xi1>
        %and3A_372 = arith.constant 8191 : i32
        %and3A_373 = vector.broadcast %and3A_372 : i32 to vector<16xi32>
        %and3A_374 = arith.andi %get3A_328, %and3A_373 : vector<16xi32>
        %add3A_375 = arith.constant 1204224 : i32
        %add3A_376 = vector.broadcast %add3A_375 : i32 to vector<16xi32>
        %add3A_377 = arith.addi %add3A_376, %and3A_374 : vector<16xi32>
        %select_n3A_378 = arith.select %and3A_371, %sub3A_364, %add3A_377 : vector<16xi1>, vector<16xi32>
        %swap3A_379 = arith.index_cast %multiple_of3A_325 : i32 to index
        %swap3A_380 = tpu.vector_load %arg7[%swap3A_379] {strides = array<i32>} : memref<5376xi32, #tpu.memory_space<vmem>>, vector<16xi32>,
        %swap3A_381 = vector.shape_cast %swap3A_380 : vector<16xi32> to vector<16xi32>
        %swap3A_382 = vector.shape_cast %select_n3A_378 : vector<16xi32> to vector<16xi32>
        tpu.vector_store %arg7[%swap3A_379], %swap3A_382 {strides = array<i32>} : memref<5376xi32, #tpu.memory_space<vmem>>, vector<16xi32>,
        %and3A_383 = arith.constant 1 : i32
        %and3A_384 = vector.broadcast %and3A_383 : i32 to vector<16xi32>
        %and3A_385 = arith.andi %sub3A_346, %and3A_384 : vector<16xi32>
        %ne3A_386 = arith.constant 0 : i32
        %ne3A_387 = vector.broadcast %ne3A_386 : i32 to vector<16xi32>
        %ne3A_388 = arith.cmpi ne, %and3A_385, %ne3A_387 : vector<16xi32>
        %jit3A_389 = arith.constant 16 : i32
        %jit3A_390 = arith.constant 1 : i32
        %broadcast_in_dim3A_391 = vector.broadcast %jit3A_389 : i32 to vector<16xi32>
        %broadcast_in_dim3A_392 = vector.broadcast %jit3A_390 : i32 to vector<16xi32>
        %select_n3A_393 = arith.select %ne3A_388, %broadcast_in_dim3A_391, %broadcast_in_dim3A_392 : vector<16xi1>, vector<16xi32>
        %and3A_394 = arith.constant 2 : i32
        %and3A_395 = vector.broadcast %and3A_394 : i32 to vector<16xi32>
        %and3A_396 = arith.andi %convert_element_type3A_342, %and3A_395 : vector<16xi32>
        %ne3A_397 = arith.constant 0 : i32
        %ne3A_398 = vector.broadcast %ne3A_397 : i32 to vector<16xi32>
        %ne3A_399 = arith.cmpi ne, %and3A_396, %ne3A_398 : vector<16xi32>
        %jit3A_400 = arith.constant 256 : i32
        %jit3A_401 = arith.constant 1 : i32
        %broadcast_in_dim3A_402 = vector.broadcast %jit3A_400 : i32 to vector<16xi32>
        %broadcast_in_dim3A_403 = vector.broadcast %jit3A_401 : i32 to vector<16xi32>
        %select_n3A_404 = arith.select %ne3A_399, %broadcast_in_dim3A_402, %broadcast_in_dim3A_403 : vector<16xi1>, vector<16xi32>
        %mul3A_405 = arith.muli %select_n3A_393, %select_n3A_404 : vector<16xi32>
        %and3A_406 = arith.constant 1 : i32
        %and3A_407 = vector.broadcast %and3A_406 : i32 to vector<16xi32>
        %and3A_408 = arith.andi %convert_element_type3A_342, %and3A_407 : vector<16xi32>
        %ne3A_409 = arith.constant 0 : i32
        %ne3A_410 = vector.broadcast %ne3A_409 : i32 to vector<16xi32>
        %ne3A_411 = arith.cmpi ne, %and3A_408, %ne3A_410 : vector<16xi32>
        %jit3A_412 = arith.constant 65536 : i32
        %jit3A_413 = arith.constant 1 : i32
        %broadcast_in_dim3A_414 = vector.broadcast %jit3A_412 : i32 to vector<16xi32>
        %broadcast_in_dim3A_415 = vector.broadcast %jit3A_413 : i32 to vector<16xi32>
        %select_n3A_416 = arith.select %ne3A_411, %broadcast_in_dim3A_414, %broadcast_in_dim3A_415 : vector<16xi1>, vector<16xi32>
        %mul3A_417 = arith.muli %mul3A_405, %select_n3A_416 : vector<16xi32>
        %swap3A_418 = arith.index_cast %multiple_of3A_325 : i32 to index
        %swap3A_419 = tpu.vector_load %arg9[%swap3A_418] {strides = array<i32>} : memref<5376xi32, #tpu.memory_space<vmem>>, vector<16xi32>,
        %swap3A_420 = vector.shape_cast %swap3A_419 : vector<16xi32> to vector<16xi32>
        %swap3A_421 = vector.shape_cast %mul3A_417 : vector<16xi32> to vector<16xi32>
        tpu.vector_store %arg9[%swap3A_418], %swap3A_421 {strides = array<i32>} : memref<5376xi32, #tpu.memory_space<vmem>>, vector<16xi32>,
        %scan3A_422 = arith.constant 3 : i32
        %scan3A_423 = arith.addi %scan3A_129, %scan3A_422 : i32
        %mul3A_424 = arith.constant 16 : i32
        %mul3A_425 = arith.muli %scan3A_423, %mul3A_424 : i32
        %multiple_of3A_426 = tpu.assume_multiple %mul3A_425, 16 : i32
        %get3A_427 = arith.index_cast %multiple_of3A_426 : i32 to index
        %get3A_428 = tpu.vector_load %arg5[%get3A_427] {strides = array<i32>} : memref<5376xi32, #tpu.memory_space<vmem>>, vector<16xi32>,
        %get3A_429 = vector.shape_cast %get3A_428 : vector<16xi32> to vector<16xi32>
        %convert_element_type3A_430 = arith.sitofp %get3A_429 : vector<16xi32> to vector<16xf32>
        %mul3A_431 = arith.constant 0.010416667 : f32
        %mul3A_432 = vector.broadcast %mul3A_431 : f32 to vector<16xf32>
        %mul3A_433 = arith.mulf %convert_element_type3A_430, %mul3A_432 : vector<16xf32>
        %convert_element_type3A_434 = arith.fptosi %mul3A_433 : vector<16xf32> to vector<16xi32>
        %mul3A_435 = arith.constant 96 : i32
        %mul3A_436 = vector.broadcast %mul3A_435 : i32 to vector<16xi32>
        %mul3A_437 = arith.muli %convert_element_type3A_434, %mul3A_436 : vector<16xi32>
        %sub3A_438 = arith.subi %get3A_429, %mul3A_437 : vector<16xi32>
        %convert_element_type3A_439 = arith.sitofp %convert_element_type3A_434 : vector<16xi32> to vector<16xf32>
        %mul3A_440 = arith.constant 0.00446428778 : f32
        %mul3A_441 = vector.broadcast %mul3A_440 : f32 to vector<16xf32>
        %mul3A_442 = arith.mulf %convert_element_type3A_439, %mul3A_441 : vector<16xf32>
        %convert_element_type3A_443 = arith.fptosi %mul3A_442 : vector<16xf32> to vector<16xi32>
        %mul3A_444 = arith.constant 224 : i32
        %mul3A_445 = vector.broadcast %mul3A_444 : i32 to vector<16xi32>
        %mul3A_446 = arith.muli %convert_element_type3A_443, %mul3A_445 : vector<16xi32>
        %sub3A_447 = arith.subi %convert_element_type3A_434, %mul3A_446 : vector<16xi32>
        %shift_right_logical3A_448 = arith.constant 2 : i32
        %shift_right_logical3A_449 = vector.broadcast %shift_right_logical3A_448 : i32 to vector<16xi32>
        %shift_right_logical3A_450 = arith.shrui %convert_element_type3A_443, %shift_right_logical3A_449 : vector<16xi32>
        %mul3A_451 = arith.constant 10752 : i32
        %mul3A_452 = vector.broadcast %mul3A_451 : i32 to vector<16xi32>
        %mul3A_453 = arith.muli %shift_right_logical3A_450, %mul3A_452 : vector<16xi32>
        %shift_right_logical3A_454 = arith.constant 1 : i32
        %shift_right_logical3A_455 = vector.broadcast %shift_right_logical3A_454 : i32 to vector<16xi32>
        %shift_right_logical3A_456 = arith.shrui %sub3A_447, %shift_right_logical3A_455 : vector<16xi32>
        %mul3A_457 = arith.constant 96 : i32
        %mul3A_458 = vector.broadcast %mul3A_457 : i32 to vector<16xi32>
        %mul3A_459 = arith.muli %shift_right_logical3A_456, %mul3A_458 : vector<16xi32>
        %add3A_460 = arith.addi %mul3A_453, %mul3A_459 : vector<16xi32>
        %add3A_461 = arith.addi %add3A_460, %sub3A_438 : vector<16xi32>
        %add3A_462 = vector.broadcast %mul3A_1 : i32 to vector<16xi32>
        %add3A_463 = arith.addi %add3A_461, %add3A_462 : vector<16xi32>
        %sub3A_464 = vector.broadcast %mul3A_5 : i32 to vector<16xi32>
        %sub3A_465 = arith.subi %add3A_463, %sub3A_464 : vector<16xi32>
        %ge3A_466 = arith.constant 0 : i32
        %ge3A_467 = vector.broadcast %ge3A_466 : i32 to vector<16xi32>
        %ge3A_468 = arith.cmpi sge, %sub3A_465, %ge3A_467 : vector<16xi32>
        %lt3A_469 = arith.constant 1204224 : i32
        %lt3A_470 = vector.broadcast %lt3A_469 : i32 to vector<16xi32>
        %lt3A_471 = arith.cmpi slt, %sub3A_465, %lt3A_470 : vector<16xi32>
        %and3A_472 = arith.andi %ge3A_468, %lt3A_471 : vector<16xi1>
        %and3A_473 = arith.constant 8191 : i32
        %and3A_474 = vector.broadcast %and3A_473 : i32 to vector<16xi32>
        %and3A_475 = arith.andi %get3A_429, %and3A_474 : vector<16xi32>
        %add3A_476 = arith.constant 1204224 : i32
        %add3A_477 = vector.broadcast %add3A_476 : i32 to vector<16xi32>
        %add3A_478 = arith.addi %add3A_477, %and3A_475 : vector<16xi32>
        %select_n3A_479 = arith.select %and3A_472, %sub3A_465, %add3A_478 : vector<16xi1>, vector<16xi32>
        %swap3A_480 = arith.index_cast %multiple_of3A_426 : i32 to index
        %swap3A_481 = tpu.vector_load %arg7[%swap3A_480] {strides = array<i32>} : memref<5376xi32, #tpu.memory_space<vmem>>, vector<16xi32>,
        %swap3A_482 = vector.shape_cast %swap3A_481 : vector<16xi32> to vector<16xi32>
        %swap3A_483 = vector.shape_cast %select_n3A_479 : vector<16xi32> to vector<16xi32>
        tpu.vector_store %arg7[%swap3A_480], %swap3A_483 {strides = array<i32>} : memref<5376xi32, #tpu.memory_space<vmem>>, vector<16xi32>,
        %and3A_484 = arith.constant 1 : i32
        %and3A_485 = vector.broadcast %and3A_484 : i32 to vector<16xi32>
        %and3A_486 = arith.andi %sub3A_447, %and3A_485 : vector<16xi32>
        %ne3A_487 = arith.constant 0 : i32
        %ne3A_488 = vector.broadcast %ne3A_487 : i32 to vector<16xi32>
        %ne3A_489 = arith.cmpi ne, %and3A_486, %ne3A_488 : vector<16xi32>
        %jit3A_490 = arith.constant 16 : i32
        %jit3A_491 = arith.constant 1 : i32
        %broadcast_in_dim3A_492 = vector.broadcast %jit3A_490 : i32 to vector<16xi32>
        %broadcast_in_dim3A_493 = vector.broadcast %jit3A_491 : i32 to vector<16xi32>
        %select_n3A_494 = arith.select %ne3A_489, %broadcast_in_dim3A_492, %broadcast_in_dim3A_493 : vector<16xi1>, vector<16xi32>
        %and3A_495 = arith.constant 2 : i32
        %and3A_496 = vector.broadcast %and3A_495 : i32 to vector<16xi32>
        %and3A_497 = arith.andi %convert_element_type3A_443, %and3A_496 : vector<16xi32>
        %ne3A_498 = arith.constant 0 : i32
        %ne3A_499 = vector.broadcast %ne3A_498 : i32 to vector<16xi32>
        %ne3A_500 = arith.cmpi ne, %and3A_497, %ne3A_499 : vector<16xi32>
        %jit3A_501 = arith.constant 256 : i32
        %jit3A_502 = arith.constant 1 : i32
        %broadcast_in_dim3A_503 = vector.broadcast %jit3A_501 : i32 to vector<16xi32>
        %broadcast_in_dim3A_504 = vector.broadcast %jit3A_502 : i32 to vector<16xi32>
        %select_n3A_505 = arith.select %ne3A_500, %broadcast_in_dim3A_503, %broadcast_in_dim3A_504 : vector<16xi1>, vector<16xi32>
        %mul3A_506 = arith.muli %select_n3A_494, %select_n3A_505 : vector<16xi32>
        %and3A_507 = arith.constant 1 : i32
        %and3A_508 = vector.broadcast %and3A_507 : i32 to vector<16xi32>
        %and3A_509 = arith.andi %convert_element_type3A_443, %and3A_508 : vector<16xi32>
        %ne3A_510 = arith.constant 0 : i32
        %ne3A_511 = vector.broadcast %ne3A_510 : i32 to vector<16xi32>
        %ne3A_512 = arith.cmpi ne, %and3A_509, %ne3A_511 : vector<16xi32>
        %jit3A_513 = arith.constant 65536 : i32
        %jit3A_514 = arith.constant 1 : i32
        %broadcast_in_dim3A_515 = vector.broadcast %jit3A_513 : i32 to vector<16xi32>
        %broadcast_in_dim3A_516 = vector.broadcast %jit3A_514 : i32 to vector<16xi32>
        %select_n3A_517 = arith.select %ne3A_512, %broadcast_in_dim3A_515, %broadcast_in_dim3A_516 : vector<16xi1>, vector<16xi32>
        %mul3A_518 = arith.muli %mul3A_506, %select_n3A_517 : vector<16xi32>
        %swap3A_519 = arith.index_cast %multiple_of3A_426 : i32 to index
        %swap3A_520 = tpu.vector_load %arg9[%swap3A_519] {strides = array<i32>} : memref<5376xi32, #tpu.memory_space<vmem>>, vector<16xi32>,
        %swap3A_521 = vector.shape_cast %swap3A_520 : vector<16xi32> to vector<16xi32>
        %swap3A_522 = vector.shape_cast %mul3A_518 : vector<16xi32> to vector<16xi32>
        tpu.vector_store %arg9[%swap3A_519], %swap3A_522 {strides = array<i32>} : memref<5376xi32, #tpu.memory_space<vmem>>, vector<16xi32>,
      }
      %scan3A_107 = arith.constant 336 : i32
      %dma_start3A = arith.constant 0 : i32
      %dma_start3A_108 = tpu.memref_slice %arg4[%dma_start3A] : memref<1212416xi32, #tpu.memory_space<vmem_shared>> -> memref<1212416xi32, #tpu.memory_space<vmem_shared>>
      tpu.enqueue_indirect_dma source(%arg9 : memref<5376xi32, #tpu.memory_space<vmem>>) target(%dma_start3A_108 : memref<1212416xi32, #tpu.memory_space<vmem_shared>>) offsets(%arg7 : memref<5376xi32, #tpu.memory_space<vmem>>) semaphore(%arg12 : memref<!tpu.dma_semaphore, #tpu.memory_space<semaphore_mem>>) {add = true}
      %gt3A_109 = arith.constant 0 : i32
      %gt3A_110 = arith.cmpi sgt, %scan3A_92, %gt3A_109 : i32
      %convert_element_type3A_111 = arith.extui %gt3A_110 : i1 to i32
      %cond3A_112 = arith.constant 0 : i32
      %cond3A_113 = arith.cmpi ne, %convert_element_type3A_111, %cond3A_112 : i32
      scf.if %cond3A_113 {
        %dma_wait3A_129 = arith.constant 0 : i32
        %dma_wait3A_130 = tpu.memref_slice %arg4[%dma_wait3A_129] : memref<1212416xi32, #tpu.memory_space<vmem_shared>> -> memref<1212416xi32, #tpu.memory_space<vmem_shared>>
        tpu.wait_indirect_dma semaphore(%arg13 : memref<!tpu.dma_semaphore, #tpu.memory_space<semaphore_mem>>) src(%arg10 : memref<5376xi32, #tpu.memory_space<vmem>>) dst(%dma_wait3A_130 : memref<1212416xi32, #tpu.memory_space<vmem_shared>>)
      } else {
      }
      %mul3A_114 = arith.constant 2 : i32
      %mul3A_115 = arith.muli %scan3A_92, %mul3A_114 : i32
      %add3A_116 = arith.constant 1 : i32
      %add3A_117 = arith.addi %mul3A_115, %add3A_116 : i32
      %mul3A_118 = arith.constant 5376 : i32
      %mul3A_119 = arith.muli %add3A_117, %mul3A_118 : i32
      %add3A_120 = arith.addi %mul3A_3, %mul3A_119 : i32
      "tpu.region"() ({
        %run_scoped3A = tpu.sem_alloc : memref<!tpu.dma_semaphore, #tpu.memory_space<semaphore_mem>>
        %dma_start3A_129 = tpu.memref_slice %arg2[%add3A_120] : memref<4816896xi32, #tpu.memory_space<hbm>> -> memref<5376xi32, #tpu.memory_space<hbm>>
        %dma_start3A_130 = tpu.memref_slice %arg2[%add3A_120] : memref<4816896xi32, #tpu.memory_space<hbm>> -> memref<5376xi32, #tpu.memory_space<hbm>>
        tpu.enqueue_dma source(%dma_start3A_130 : memref<5376xi32, #tpu.memory_space<hbm>>) target(%arg6 : memref<5376xi32, #tpu.memory_space<vmem>>) target_semaphore(%run_scoped3A : memref<!tpu.dma_semaphore, #tpu.memory_space<semaphore_mem>>)
        %dma_wait3A_131 = tpu.memref_slice %arg2[%add3A_120] : memref<4816896xi32, #tpu.memory_space<hbm>> -> memref<5376xi32, #tpu.memory_space<hbm>>
        %dma_wait3A_132 = tpu.memref_slice %arg2[%add3A_120] : memref<4816896xi32, #tpu.memory_space<hbm>> -> memref<5376xi32, #tpu.memory_space<hbm>>
        tpu.wait_dma2 semaphore(%run_scoped3A : memref<!tpu.dma_semaphore, #tpu.memory_space<semaphore_mem>>) src(%dma_wait3A_132 : memref<5376xi32, #tpu.memory_space<hbm>>) dst(%arg6 : memref<5376xi32, #tpu.memory_space<vmem>>)
        tpu.yield
      }) : () -> ()
      %scan3A_121 = arith.constant 0 : i32
      %scan3A_122 = arith.constant 0 : i32
      %scan3A_123 = arith.constant 336 : i32
      %scan3A_124 = arith.addi %scan3A_122, %scan3A_123 : i32
      %scan3A_125 = arith.constant 4 : i32
      scf.for %scan3A_129 = %scan3A_122 to %scan3A_124 step %scan3A_125  : i32 {
        %mul3A_130 = arith.constant 16 : i32
        %mul3A_131 = arith.muli %scan3A_129, %mul3A_130 : i32
        %multiple_of3A_132 = tpu.assume_multiple %mul3A_131, 16 : i32
        %get3A = arith.index_cast %multiple_of3A_132 : i32 to index
        %get3A_133 = tpu.vector_load %arg6[%get3A] {strides = array<i32>} : memref<5376xi32, #tpu.memory_space<vmem>>, vector<16xi32>,
        %get3A_134 = vector.shape_cast %get3A_133 : vector<16xi32> to vector<16xi32>
        %convert_element_type3A_135 = arith.sitofp %get3A_134 : vector<16xi32> to vector<16xf32>
        %mul3A_136 = arith.constant 0.010416667 : f32
        %mul3A_137 = vector.broadcast %mul3A_136 : f32 to vector<16xf32>
        %mul3A_138 = arith.mulf %convert_element_type3A_135, %mul3A_137 : vector<16xf32>
        %convert_element_type3A_139 = arith.fptosi %mul3A_138 : vector<16xf32> to vector<16xi32>
        %mul3A_140 = arith.constant 96 : i32
        %mul3A_141 = vector.broadcast %mul3A_140 : i32 to vector<16xi32>
        %mul3A_142 = arith.muli %convert_element_type3A_139, %mul3A_141 : vector<16xi32>
        %sub3A = arith.subi %get3A_134, %mul3A_142 : vector<16xi32>
        %convert_element_type3A_143 = arith.sitofp %convert_element_type3A_139 : vector<16xi32> to vector<16xf32>
        %mul3A_144 = arith.constant 0.00446428778 : f32
        %mul3A_145 = vector.broadcast %mul3A_144 : f32 to vector<16xf32>
        %mul3A_146 = arith.mulf %convert_element_type3A_143, %mul3A_145 : vector<16xf32>
        %convert_element_type3A_147 = arith.fptosi %mul3A_146 : vector<16xf32> to vector<16xi32>
        %mul3A_148 = arith.constant 224 : i32
        %mul3A_149 = vector.broadcast %mul3A_148 : i32 to vector<16xi32>
        %mul3A_150 = arith.muli %convert_element_type3A_147, %mul3A_149 : vector<16xi32>
        %sub3A_151 = arith.subi %convert_element_type3A_139, %mul3A_150 : vector<16xi32>
        %shift_right_logical3A = arith.constant 2 : i32
        %shift_right_logical3A_152 = vector.broadcast %shift_right_logical3A : i32 to vector<16xi32>
        %shift_right_logical3A_153 = arith.shrui %convert_element_type3A_147, %shift_right_logical3A_152 : vector<16xi32>
        %mul3A_154 = arith.constant 10752 : i32
        %mul3A_155 = vector.broadcast %mul3A_154 : i32 to vector<16xi32>
        %mul3A_156 = arith.muli %shift_right_logical3A_153, %mul3A_155 : vector<16xi32>
        %shift_right_logical3A_157 = arith.constant 1 : i32
        %shift_right_logical3A_158 = vector.broadcast %shift_right_logical3A_157 : i32 to vector<16xi32>
        %shift_right_logical3A_159 = arith.shrui %sub3A_151, %shift_right_logical3A_158 : vector<16xi32>
        %mul3A_160 = arith.constant 96 : i32
        %mul3A_161 = vector.broadcast %mul3A_160 : i32 to vector<16xi32>
        %mul3A_162 = arith.muli %shift_right_logical3A_159, %mul3A_161 : vector<16xi32>
        %add3A_163 = arith.addi %mul3A_156, %mul3A_162 : vector<16xi32>
        %add3A_164 = arith.addi %add3A_163, %sub3A : vector<16xi32>
        %add3A_165 = vector.broadcast %mul3A_1 : i32 to vector<16xi32>
        %add3A_166 = arith.addi %add3A_164, %add3A_165 : vector<16xi32>
        %sub3A_167 = vector.broadcast %mul3A_5 : i32 to vector<16xi32>
        %sub3A_168 = arith.subi %add3A_166, %sub3A_167 : vector<16xi32>
        %ge3A = arith.constant 0 : i32
        %ge3A_169 = vector.broadcast %ge3A : i32 to vector<16xi32>
        %ge3A_170 = arith.cmpi sge, %sub3A_168, %ge3A_169 : vector<16xi32>
        %lt3A = arith.constant 1204224 : i32
        %lt3A_171 = vector.broadcast %lt3A : i32 to vector<16xi32>
        %lt3A_172 = arith.cmpi slt, %sub3A_168, %lt3A_171 : vector<16xi32>
        %and3A = arith.andi %ge3A_170, %lt3A_172 : vector<16xi1>
        %and3A_173 = arith.constant 8191 : i32
        %and3A_174 = vector.broadcast %and3A_173 : i32 to vector<16xi32>
        %and3A_175 = arith.andi %get3A_134, %and3A_174 : vector<16xi32>
        %add3A_176 = arith.constant 1204224 : i32
        %add3A_177 = vector.broadcast %add3A_176 : i32 to vector<16xi32>
        %add3A_178 = arith.addi %add3A_177, %and3A_175 : vector<16xi32>
        %select_n3A = arith.select %and3A, %sub3A_168, %add3A_178 : vector<16xi1>, vector<16xi32>
        %swap3A_179 = arith.index_cast %multiple_of3A_132 : i32 to index
        %swap3A_180 = tpu.vector_load %arg8[%swap3A_179] {strides = array<i32>} : memref<5376xi32, #tpu.memory_space<vmem>>, vector<16xi32>,
        %swap3A_181 = vector.shape_cast %swap3A_180 : vector<16xi32> to vector<16xi32>
        %swap3A_182 = vector.shape_cast %select_n3A : vector<16xi32> to vector<16xi32>
        tpu.vector_store %arg8[%swap3A_179], %swap3A_182 {strides = array<i32>} : memref<5376xi32, #tpu.memory_space<vmem>>, vector<16xi32>,
        %and3A_183 = arith.constant 1 : i32
        %and3A_184 = vector.broadcast %and3A_183 : i32 to vector<16xi32>
        %and3A_185 = arith.andi %sub3A_151, %and3A_184 : vector<16xi32>
        %ne3A = arith.constant 0 : i32
        %ne3A_186 = vector.broadcast %ne3A : i32 to vector<16xi32>
        %ne3A_187 = arith.cmpi ne, %and3A_185, %ne3A_186 : vector<16xi32>
        %jit3A = arith.constant 16 : i32
        %jit3A_188 = arith.constant 1 : i32
        %broadcast_in_dim3A_189 = vector.broadcast %jit3A : i32 to vector<16xi32>
        %broadcast_in_dim3A_190 = vector.broadcast %jit3A_188 : i32 to vector<16xi32>
        %select_n3A_191 = arith.select %ne3A_187, %broadcast_in_dim3A_189, %broadcast_in_dim3A_190 : vector<16xi1>, vector<16xi32>
        %and3A_192 = arith.constant 2 : i32
        %and3A_193 = vector.broadcast %and3A_192 : i32 to vector<16xi32>
        %and3A_194 = arith.andi %convert_element_type3A_147, %and3A_193 : vector<16xi32>
        %ne3A_195 = arith.constant 0 : i32
        %ne3A_196 = vector.broadcast %ne3A_195 : i32 to vector<16xi32>
        %ne3A_197 = arith.cmpi ne, %and3A_194, %ne3A_196 : vector<16xi32>
        %jit3A_198 = arith.constant 256 : i32
        %jit3A_199 = arith.constant 1 : i32
        %broadcast_in_dim3A_200 = vector.broadcast %jit3A_198 : i32 to vector<16xi32>
        %broadcast_in_dim3A_201 = vector.broadcast %jit3A_199 : i32 to vector<16xi32>
        %select_n3A_202 = arith.select %ne3A_197, %broadcast_in_dim3A_200, %broadcast_in_dim3A_201 : vector<16xi1>, vector<16xi32>
        %mul3A_203 = arith.muli %select_n3A_191, %select_n3A_202 : vector<16xi32>
        %and3A_204 = arith.constant 1 : i32
        %and3A_205 = vector.broadcast %and3A_204 : i32 to vector<16xi32>
        %and3A_206 = arith.andi %convert_element_type3A_147, %and3A_205 : vector<16xi32>
        %ne3A_207 = arith.constant 0 : i32
        %ne3A_208 = vector.broadcast %ne3A_207 : i32 to vector<16xi32>
        %ne3A_209 = arith.cmpi ne, %and3A_206, %ne3A_208 : vector<16xi32>
        %jit3A_210 = arith.constant 65536 : i32
        %jit3A_211 = arith.constant 1 : i32
        %broadcast_in_dim3A_212 = vector.broadcast %jit3A_210 : i32 to vector<16xi32>
        %broadcast_in_dim3A_213 = vector.broadcast %jit3A_211 : i32 to vector<16xi32>
        %select_n3A_214 = arith.select %ne3A_209, %broadcast_in_dim3A_212, %broadcast_in_dim3A_213 : vector<16xi1>, vector<16xi32>
        %mul3A_215 = arith.muli %mul3A_203, %select_n3A_214 : vector<16xi32>
        %swap3A_216 = arith.index_cast %multiple_of3A_132 : i32 to index
        %swap3A_217 = tpu.vector_load %arg10[%swap3A_216] {strides = array<i32>} : memref<5376xi32, #tpu.memory_space<vmem>>, vector<16xi32>,
        %swap3A_218 = vector.shape_cast %swap3A_217 : vector<16xi32> to vector<16xi32>
        %swap3A_219 = vector.shape_cast %mul3A_215 : vector<16xi32> to vector<16xi32>
        tpu.vector_store %arg10[%swap3A_216], %swap3A_219 {strides = array<i32>} : memref<5376xi32, #tpu.memory_space<vmem>>, vector<16xi32>,
        %scan3A_220 = arith.constant 1 : i32
        %scan3A_221 = arith.addi %scan3A_129, %scan3A_220 : i32
        %mul3A_222 = arith.constant 16 : i32
        %mul3A_223 = arith.muli %scan3A_221, %mul3A_222 : i32
        %multiple_of3A_224 = tpu.assume_multiple %mul3A_223, 16 : i32
        %get3A_225 = arith.index_cast %multiple_of3A_224 : i32 to index
        %get3A_226 = tpu.vector_load %arg6[%get3A_225] {strides = array<i32>} : memref<5376xi32, #tpu.memory_space<vmem>>, vector<16xi32>,
        %get3A_227 = vector.shape_cast %get3A_226 : vector<16xi32> to vector<16xi32>
        %convert_element_type3A_228 = arith.sitofp %get3A_227 : vector<16xi32> to vector<16xf32>
        %mul3A_229 = arith.constant 0.010416667 : f32
        %mul3A_230 = vector.broadcast %mul3A_229 : f32 to vector<16xf32>
        %mul3A_231 = arith.mulf %convert_element_type3A_228, %mul3A_230 : vector<16xf32>
        %convert_element_type3A_232 = arith.fptosi %mul3A_231 : vector<16xf32> to vector<16xi32>
        %mul3A_233 = arith.constant 96 : i32
        %mul3A_234 = vector.broadcast %mul3A_233 : i32 to vector<16xi32>
        %mul3A_235 = arith.muli %convert_element_type3A_232, %mul3A_234 : vector<16xi32>
        %sub3A_236 = arith.subi %get3A_227, %mul3A_235 : vector<16xi32>
        %convert_element_type3A_237 = arith.sitofp %convert_element_type3A_232 : vector<16xi32> to vector<16xf32>
        %mul3A_238 = arith.constant 0.00446428778 : f32
        %mul3A_239 = vector.broadcast %mul3A_238 : f32 to vector<16xf32>
        %mul3A_240 = arith.mulf %convert_element_type3A_237, %mul3A_239 : vector<16xf32>
        %convert_element_type3A_241 = arith.fptosi %mul3A_240 : vector<16xf32> to vector<16xi32>
        %mul3A_242 = arith.constant 224 : i32
        %mul3A_243 = vector.broadcast %mul3A_242 : i32 to vector<16xi32>
        %mul3A_244 = arith.muli %convert_element_type3A_241, %mul3A_243 : vector<16xi32>
        %sub3A_245 = arith.subi %convert_element_type3A_232, %mul3A_244 : vector<16xi32>
        %shift_right_logical3A_246 = arith.constant 2 : i32
        %shift_right_logical3A_247 = vector.broadcast %shift_right_logical3A_246 : i32 to vector<16xi32>
        %shift_right_logical3A_248 = arith.shrui %convert_element_type3A_241, %shift_right_logical3A_247 : vector<16xi32>
        %mul3A_249 = arith.constant 10752 : i32
        %mul3A_250 = vector.broadcast %mul3A_249 : i32 to vector<16xi32>
        %mul3A_251 = arith.muli %shift_right_logical3A_248, %mul3A_250 : vector<16xi32>
        %shift_right_logical3A_252 = arith.constant 1 : i32
        %shift_right_logical3A_253 = vector.broadcast %shift_right_logical3A_252 : i32 to vector<16xi32>
        %shift_right_logical3A_254 = arith.shrui %sub3A_245, %shift_right_logical3A_253 : vector<16xi32>
        %mul3A_255 = arith.constant 96 : i32
        %mul3A_256 = vector.broadcast %mul3A_255 : i32 to vector<16xi32>
        %mul3A_257 = arith.muli %shift_right_logical3A_254, %mul3A_256 : vector<16xi32>
        %add3A_258 = arith.addi %mul3A_251, %mul3A_257 : vector<16xi32>
        %add3A_259 = arith.addi %add3A_258, %sub3A_236 : vector<16xi32>
        %add3A_260 = vector.broadcast %mul3A_1 : i32 to vector<16xi32>
        %add3A_261 = arith.addi %add3A_259, %add3A_260 : vector<16xi32>
        %sub3A_262 = vector.broadcast %mul3A_5 : i32 to vector<16xi32>
        %sub3A_263 = arith.subi %add3A_261, %sub3A_262 : vector<16xi32>
        %ge3A_264 = arith.constant 0 : i32
        %ge3A_265 = vector.broadcast %ge3A_264 : i32 to vector<16xi32>
        %ge3A_266 = arith.cmpi sge, %sub3A_263, %ge3A_265 : vector<16xi32>
        %lt3A_267 = arith.constant 1204224 : i32
        %lt3A_268 = vector.broadcast %lt3A_267 : i32 to vector<16xi32>
        %lt3A_269 = arith.cmpi slt, %sub3A_263, %lt3A_268 : vector<16xi32>
        %and3A_270 = arith.andi %ge3A_266, %lt3A_269 : vector<16xi1>
        %and3A_271 = arith.constant 8191 : i32
        %and3A_272 = vector.broadcast %and3A_271 : i32 to vector<16xi32>
        %and3A_273 = arith.andi %get3A_227, %and3A_272 : vector<16xi32>
        %add3A_274 = arith.constant 1204224 : i32
        %add3A_275 = vector.broadcast %add3A_274 : i32 to vector<16xi32>
        %add3A_276 = arith.addi %add3A_275, %and3A_273 : vector<16xi32>
        %select_n3A_277 = arith.select %and3A_270, %sub3A_263, %add3A_276 : vector<16xi1>, vector<16xi32>
        %swap3A_278 = arith.index_cast %multiple_of3A_224 : i32 to index
        %swap3A_279 = tpu.vector_load %arg8[%swap3A_278] {strides = array<i32>} : memref<5376xi32, #tpu.memory_space<vmem>>, vector<16xi32>,
        %swap3A_280 = vector.shape_cast %swap3A_279 : vector<16xi32> to vector<16xi32>
        %swap3A_281 = vector.shape_cast %select_n3A_277 : vector<16xi32> to vector<16xi32>
        tpu.vector_store %arg8[%swap3A_278], %swap3A_281 {strides = array<i32>} : memref<5376xi32, #tpu.memory_space<vmem>>, vector<16xi32>,
        %and3A_282 = arith.constant 1 : i32
        %and3A_283 = vector.broadcast %and3A_282 : i32 to vector<16xi32>
        %and3A_284 = arith.andi %sub3A_245, %and3A_283 : vector<16xi32>
        %ne3A_285 = arith.constant 0 : i32
        %ne3A_286 = vector.broadcast %ne3A_285 : i32 to vector<16xi32>
        %ne3A_287 = arith.cmpi ne, %and3A_284, %ne3A_286 : vector<16xi32>
        %jit3A_288 = arith.constant 16 : i32
        %jit3A_289 = arith.constant 1 : i32
        %broadcast_in_dim3A_290 = vector.broadcast %jit3A_288 : i32 to vector<16xi32>
        %broadcast_in_dim3A_291 = vector.broadcast %jit3A_289 : i32 to vector<16xi32>
        %select_n3A_292 = arith.select %ne3A_287, %broadcast_in_dim3A_290, %broadcast_in_dim3A_291 : vector<16xi1>, vector<16xi32>
        %and3A_293 = arith.constant 2 : i32
        %and3A_294 = vector.broadcast %and3A_293 : i32 to vector<16xi32>
        %and3A_295 = arith.andi %convert_element_type3A_241, %and3A_294 : vector<16xi32>
        %ne3A_296 = arith.constant 0 : i32
        %ne3A_297 = vector.broadcast %ne3A_296 : i32 to vector<16xi32>
        %ne3A_298 = arith.cmpi ne, %and3A_295, %ne3A_297 : vector<16xi32>
        %jit3A_299 = arith.constant 256 : i32
        %jit3A_300 = arith.constant 1 : i32
        %broadcast_in_dim3A_301 = vector.broadcast %jit3A_299 : i32 to vector<16xi32>
        %broadcast_in_dim3A_302 = vector.broadcast %jit3A_300 : i32 to vector<16xi32>
        %select_n3A_303 = arith.select %ne3A_298, %broadcast_in_dim3A_301, %broadcast_in_dim3A_302 : vector<16xi1>, vector<16xi32>
        %mul3A_304 = arith.muli %select_n3A_292, %select_n3A_303 : vector<16xi32>
        %and3A_305 = arith.constant 1 : i32
        %and3A_306 = vector.broadcast %and3A_305 : i32 to vector<16xi32>
        %and3A_307 = arith.andi %convert_element_type3A_241, %and3A_306 : vector<16xi32>
        %ne3A_308 = arith.constant 0 : i32
        %ne3A_309 = vector.broadcast %ne3A_308 : i32 to vector<16xi32>
        %ne3A_310 = arith.cmpi ne, %and3A_307, %ne3A_309 : vector<16xi32>
        %jit3A_311 = arith.constant 65536 : i32
        %jit3A_312 = arith.constant 1 : i32
        %broadcast_in_dim3A_313 = vector.broadcast %jit3A_311 : i32 to vector<16xi32>
        %broadcast_in_dim3A_314 = vector.broadcast %jit3A_312 : i32 to vector<16xi32>
        %select_n3A_315 = arith.select %ne3A_310, %broadcast_in_dim3A_313, %broadcast_in_dim3A_314 : vector<16xi1>, vector<16xi32>
        %mul3A_316 = arith.muli %mul3A_304, %select_n3A_315 : vector<16xi32>
        %swap3A_317 = arith.index_cast %multiple_of3A_224 : i32 to index
        %swap3A_318 = tpu.vector_load %arg10[%swap3A_317] {strides = array<i32>} : memref<5376xi32, #tpu.memory_space<vmem>>, vector<16xi32>,
        %swap3A_319 = vector.shape_cast %swap3A_318 : vector<16xi32> to vector<16xi32>
        %swap3A_320 = vector.shape_cast %mul3A_316 : vector<16xi32> to vector<16xi32>
        tpu.vector_store %arg10[%swap3A_317], %swap3A_320 {strides = array<i32>} : memref<5376xi32, #tpu.memory_space<vmem>>, vector<16xi32>,
        %scan3A_321 = arith.constant 2 : i32
        %scan3A_322 = arith.addi %scan3A_129, %scan3A_321 : i32
        %mul3A_323 = arith.constant 16 : i32
        %mul3A_324 = arith.muli %scan3A_322, %mul3A_323 : i32
        %multiple_of3A_325 = tpu.assume_multiple %mul3A_324, 16 : i32
        %get3A_326 = arith.index_cast %multiple_of3A_325 : i32 to index
        %get3A_327 = tpu.vector_load %arg6[%get3A_326] {strides = array<i32>} : memref<5376xi32, #tpu.memory_space<vmem>>, vector<16xi32>,
        %get3A_328 = vector.shape_cast %get3A_327 : vector<16xi32> to vector<16xi32>
        %convert_element_type3A_329 = arith.sitofp %get3A_328 : vector<16xi32> to vector<16xf32>
        %mul3A_330 = arith.constant 0.010416667 : f32
        %mul3A_331 = vector.broadcast %mul3A_330 : f32 to vector<16xf32>
        %mul3A_332 = arith.mulf %convert_element_type3A_329, %mul3A_331 : vector<16xf32>
        %convert_element_type3A_333 = arith.fptosi %mul3A_332 : vector<16xf32> to vector<16xi32>
        %mul3A_334 = arith.constant 96 : i32
        %mul3A_335 = vector.broadcast %mul3A_334 : i32 to vector<16xi32>
        %mul3A_336 = arith.muli %convert_element_type3A_333, %mul3A_335 : vector<16xi32>
        %sub3A_337 = arith.subi %get3A_328, %mul3A_336 : vector<16xi32>
        %convert_element_type3A_338 = arith.sitofp %convert_element_type3A_333 : vector<16xi32> to vector<16xf32>
        %mul3A_339 = arith.constant 0.00446428778 : f32
        %mul3A_340 = vector.broadcast %mul3A_339 : f32 to vector<16xf32>
        %mul3A_341 = arith.mulf %convert_element_type3A_338, %mul3A_340 : vector<16xf32>
        %convert_element_type3A_342 = arith.fptosi %mul3A_341 : vector<16xf32> to vector<16xi32>
        %mul3A_343 = arith.constant 224 : i32
        %mul3A_344 = vector.broadcast %mul3A_343 : i32 to vector<16xi32>
        %mul3A_345 = arith.muli %convert_element_type3A_342, %mul3A_344 : vector<16xi32>
        %sub3A_346 = arith.subi %convert_element_type3A_333, %mul3A_345 : vector<16xi32>
        %shift_right_logical3A_347 = arith.constant 2 : i32
        %shift_right_logical3A_348 = vector.broadcast %shift_right_logical3A_347 : i32 to vector<16xi32>
        %shift_right_logical3A_349 = arith.shrui %convert_element_type3A_342, %shift_right_logical3A_348 : vector<16xi32>
        %mul3A_350 = arith.constant 10752 : i32
        %mul3A_351 = vector.broadcast %mul3A_350 : i32 to vector<16xi32>
        %mul3A_352 = arith.muli %shift_right_logical3A_349, %mul3A_351 : vector<16xi32>
        %shift_right_logical3A_353 = arith.constant 1 : i32
        %shift_right_logical3A_354 = vector.broadcast %shift_right_logical3A_353 : i32 to vector<16xi32>
        %shift_right_logical3A_355 = arith.shrui %sub3A_346, %shift_right_logical3A_354 : vector<16xi32>
        %mul3A_356 = arith.constant 96 : i32
        %mul3A_357 = vector.broadcast %mul3A_356 : i32 to vector<16xi32>
        %mul3A_358 = arith.muli %shift_right_logical3A_355, %mul3A_357 : vector<16xi32>
        %add3A_359 = arith.addi %mul3A_352, %mul3A_358 : vector<16xi32>
        %add3A_360 = arith.addi %add3A_359, %sub3A_337 : vector<16xi32>
        %add3A_361 = vector.broadcast %mul3A_1 : i32 to vector<16xi32>
        %add3A_362 = arith.addi %add3A_360, %add3A_361 : vector<16xi32>
        %sub3A_363 = vector.broadcast %mul3A_5 : i32 to vector<16xi32>
        %sub3A_364 = arith.subi %add3A_362, %sub3A_363 : vector<16xi32>
        %ge3A_365 = arith.constant 0 : i32
        %ge3A_366 = vector.broadcast %ge3A_365 : i32 to vector<16xi32>
        %ge3A_367 = arith.cmpi sge, %sub3A_364, %ge3A_366 : vector<16xi32>
        %lt3A_368 = arith.constant 1204224 : i32
        %lt3A_369 = vector.broadcast %lt3A_368 : i32 to vector<16xi32>
        %lt3A_370 = arith.cmpi slt, %sub3A_364, %lt3A_369 : vector<16xi32>
        %and3A_371 = arith.andi %ge3A_367, %lt3A_370 : vector<16xi1>
        %and3A_372 = arith.constant 8191 : i32
        %and3A_373 = vector.broadcast %and3A_372 : i32 to vector<16xi32>
        %and3A_374 = arith.andi %get3A_328, %and3A_373 : vector<16xi32>
        %add3A_375 = arith.constant 1204224 : i32
        %add3A_376 = vector.broadcast %add3A_375 : i32 to vector<16xi32>
        %add3A_377 = arith.addi %add3A_376, %and3A_374 : vector<16xi32>
        %select_n3A_378 = arith.select %and3A_371, %sub3A_364, %add3A_377 : vector<16xi1>, vector<16xi32>
        %swap3A_379 = arith.index_cast %multiple_of3A_325 : i32 to index
        %swap3A_380 = tpu.vector_load %arg8[%swap3A_379] {strides = array<i32>} : memref<5376xi32, #tpu.memory_space<vmem>>, vector<16xi32>,
        %swap3A_381 = vector.shape_cast %swap3A_380 : vector<16xi32> to vector<16xi32>
        %swap3A_382 = vector.shape_cast %select_n3A_378 : vector<16xi32> to vector<16xi32>
        tpu.vector_store %arg8[%swap3A_379], %swap3A_382 {strides = array<i32>} : memref<5376xi32, #tpu.memory_space<vmem>>, vector<16xi32>,
        %and3A_383 = arith.constant 1 : i32
        %and3A_384 = vector.broadcast %and3A_383 : i32 to vector<16xi32>
        %and3A_385 = arith.andi %sub3A_346, %and3A_384 : vector<16xi32>
        %ne3A_386 = arith.constant 0 : i32
        %ne3A_387 = vector.broadcast %ne3A_386 : i32 to vector<16xi32>
        %ne3A_388 = arith.cmpi ne, %and3A_385, %ne3A_387 : vector<16xi32>
        %jit3A_389 = arith.constant 16 : i32
        %jit3A_390 = arith.constant 1 : i32
        %broadcast_in_dim3A_391 = vector.broadcast %jit3A_389 : i32 to vector<16xi32>
        %broadcast_in_dim3A_392 = vector.broadcast %jit3A_390 : i32 to vector<16xi32>
        %select_n3A_393 = arith.select %ne3A_388, %broadcast_in_dim3A_391, %broadcast_in_dim3A_392 : vector<16xi1>, vector<16xi32>
        %and3A_394 = arith.constant 2 : i32
        %and3A_395 = vector.broadcast %and3A_394 : i32 to vector<16xi32>
        %and3A_396 = arith.andi %convert_element_type3A_342, %and3A_395 : vector<16xi32>
        %ne3A_397 = arith.constant 0 : i32
        %ne3A_398 = vector.broadcast %ne3A_397 : i32 to vector<16xi32>
        %ne3A_399 = arith.cmpi ne, %and3A_396, %ne3A_398 : vector<16xi32>
        %jit3A_400 = arith.constant 256 : i32
        %jit3A_401 = arith.constant 1 : i32
        %broadcast_in_dim3A_402 = vector.broadcast %jit3A_400 : i32 to vector<16xi32>
        %broadcast_in_dim3A_403 = vector.broadcast %jit3A_401 : i32 to vector<16xi32>
        %select_n3A_404 = arith.select %ne3A_399, %broadcast_in_dim3A_402, %broadcast_in_dim3A_403 : vector<16xi1>, vector<16xi32>
        %mul3A_405 = arith.muli %select_n3A_393, %select_n3A_404 : vector<16xi32>
        %and3A_406 = arith.constant 1 : i32
        %and3A_407 = vector.broadcast %and3A_406 : i32 to vector<16xi32>
        %and3A_408 = arith.andi %convert_element_type3A_342, %and3A_407 : vector<16xi32>
        %ne3A_409 = arith.constant 0 : i32
        %ne3A_410 = vector.broadcast %ne3A_409 : i32 to vector<16xi32>
        %ne3A_411 = arith.cmpi ne, %and3A_408, %ne3A_410 : vector<16xi32>
        %jit3A_412 = arith.constant 65536 : i32
        %jit3A_413 = arith.constant 1 : i32
        %broadcast_in_dim3A_414 = vector.broadcast %jit3A_412 : i32 to vector<16xi32>
        %broadcast_in_dim3A_415 = vector.broadcast %jit3A_413 : i32 to vector<16xi32>
        %select_n3A_416 = arith.select %ne3A_411, %broadcast_in_dim3A_414, %broadcast_in_dim3A_415 : vector<16xi1>, vector<16xi32>
        %mul3A_417 = arith.muli %mul3A_405, %select_n3A_416 : vector<16xi32>
        %swap3A_418 = arith.index_cast %multiple_of3A_325 : i32 to index
        %swap3A_419 = tpu.vector_load %arg10[%swap3A_418] {strides = array<i32>} : memref<5376xi32, #tpu.memory_space<vmem>>, vector<16xi32>,
        %swap3A_420 = vector.shape_cast %swap3A_419 : vector<16xi32> to vector<16xi32>
        %swap3A_421 = vector.shape_cast %mul3A_417 : vector<16xi32> to vector<16xi32>
        tpu.vector_store %arg10[%swap3A_418], %swap3A_421 {strides = array<i32>} : memref<5376xi32, #tpu.memory_space<vmem>>, vector<16xi32>,
        %scan3A_422 = arith.constant 3 : i32
        %scan3A_423 = arith.addi %scan3A_129, %scan3A_422 : i32
        %mul3A_424 = arith.constant 16 : i32
        %mul3A_425 = arith.muli %scan3A_423, %mul3A_424 : i32
        %multiple_of3A_426 = tpu.assume_multiple %mul3A_425, 16 : i32
        %get3A_427 = arith.index_cast %multiple_of3A_426 : i32 to index
        %get3A_428 = tpu.vector_load %arg6[%get3A_427] {strides = array<i32>} : memref<5376xi32, #tpu.memory_space<vmem>>, vector<16xi32>,
        %get3A_429 = vector.shape_cast %get3A_428 : vector<16xi32> to vector<16xi32>
        %convert_element_type3A_430 = arith.sitofp %get3A_429 : vector<16xi32> to vector<16xf32>
        %mul3A_431 = arith.constant 0.010416667 : f32
        %mul3A_432 = vector.broadcast %mul3A_431 : f32 to vector<16xf32>
        %mul3A_433 = arith.mulf %convert_element_type3A_430, %mul3A_432 : vector<16xf32>
        %convert_element_type3A_434 = arith.fptosi %mul3A_433 : vector<16xf32> to vector<16xi32>
        %mul3A_435 = arith.constant 96 : i32
        %mul3A_436 = vector.broadcast %mul3A_435 : i32 to vector<16xi32>
        %mul3A_437 = arith.muli %convert_element_type3A_434, %mul3A_436 : vector<16xi32>
        %sub3A_438 = arith.subi %get3A_429, %mul3A_437 : vector<16xi32>
        %convert_element_type3A_439 = arith.sitofp %convert_element_type3A_434 : vector<16xi32> to vector<16xf32>
        %mul3A_440 = arith.constant 0.00446428778 : f32
        %mul3A_441 = vector.broadcast %mul3A_440 : f32 to vector<16xf32>
        %mul3A_442 = arith.mulf %convert_element_type3A_439, %mul3A_441 : vector<16xf32>
        %convert_element_type3A_443 = arith.fptosi %mul3A_442 : vector<16xf32> to vector<16xi32>
        %mul3A_444 = arith.constant 224 : i32
        %mul3A_445 = vector.broadcast %mul3A_444 : i32 to vector<16xi32>
        %mul3A_446 = arith.muli %convert_element_type3A_443, %mul3A_445 : vector<16xi32>
        %sub3A_447 = arith.subi %convert_element_type3A_434, %mul3A_446 : vector<16xi32>
        %shift_right_logical3A_448 = arith.constant 2 : i32
        %shift_right_logical3A_449 = vector.broadcast %shift_right_logical3A_448 : i32 to vector<16xi32>
        %shift_right_logical3A_450 = arith.shrui %convert_element_type3A_443, %shift_right_logical3A_449 : vector<16xi32>
        %mul3A_451 = arith.constant 10752 : i32
        %mul3A_452 = vector.broadcast %mul3A_451 : i32 to vector<16xi32>
        %mul3A_453 = arith.muli %shift_right_logical3A_450, %mul3A_452 : vector<16xi32>
        %shift_right_logical3A_454 = arith.constant 1 : i32
        %shift_right_logical3A_455 = vector.broadcast %shift_right_logical3A_454 : i32 to vector<16xi32>
        %shift_right_logical3A_456 = arith.shrui %sub3A_447, %shift_right_logical3A_455 : vector<16xi32>
        %mul3A_457 = arith.constant 96 : i32
        %mul3A_458 = vector.broadcast %mul3A_457 : i32 to vector<16xi32>
        %mul3A_459 = arith.muli %shift_right_logical3A_456, %mul3A_458 : vector<16xi32>
        %add3A_460 = arith.addi %mul3A_453, %mul3A_459 : vector<16xi32>
        %add3A_461 = arith.addi %add3A_460, %sub3A_438 : vector<16xi32>
        %add3A_462 = vector.broadcast %mul3A_1 : i32 to vector<16xi32>
        %add3A_463 = arith.addi %add3A_461, %add3A_462 : vector<16xi32>
        %sub3A_464 = vector.broadcast %mul3A_5 : i32 to vector<16xi32>
        %sub3A_465 = arith.subi %add3A_463, %sub3A_464 : vector<16xi32>
        %ge3A_466 = arith.constant 0 : i32
        %ge3A_467 = vector.broadcast %ge3A_466 : i32 to vector<16xi32>
        %ge3A_468 = arith.cmpi sge, %sub3A_465, %ge3A_467 : vector<16xi32>
        %lt3A_469 = arith.constant 1204224 : i32
        %lt3A_470 = vector.broadcast %lt3A_469 : i32 to vector<16xi32>
        %lt3A_471 = arith.cmpi slt, %sub3A_465, %lt3A_470 : vector<16xi32>
        %and3A_472 = arith.andi %ge3A_468, %lt3A_471 : vector<16xi1>
        %and3A_473 = arith.constant 8191 : i32
        %and3A_474 = vector.broadcast %and3A_473 : i32 to vector<16xi32>
        %and3A_475 = arith.andi %get3A_429, %and3A_474 : vector<16xi32>
        %add3A_476 = arith.constant 1204224 : i32
        %add3A_477 = vector.broadcast %add3A_476 : i32 to vector<16xi32>
        %add3A_478 = arith.addi %add3A_477, %and3A_475 : vector<16xi32>
        %select_n3A_479 = arith.select %and3A_472, %sub3A_465, %add3A_478 : vector<16xi1>, vector<16xi32>
        %swap3A_480 = arith.index_cast %multiple_of3A_426 : i32 to index
        %swap3A_481 = tpu.vector_load %arg8[%swap3A_480] {strides = array<i32>} : memref<5376xi32, #tpu.memory_space<vmem>>, vector<16xi32>,
        %swap3A_482 = vector.shape_cast %swap3A_481 : vector<16xi32> to vector<16xi32>
        %swap3A_483 = vector.shape_cast %select_n3A_479 : vector<16xi32> to vector<16xi32>
        tpu.vector_store %arg8[%swap3A_480], %swap3A_483 {strides = array<i32>} : memref<5376xi32, #tpu.memory_space<vmem>>, vector<16xi32>,
        %and3A_484 = arith.constant 1 : i32
        %and3A_485 = vector.broadcast %and3A_484 : i32 to vector<16xi32>
        %and3A_486 = arith.andi %sub3A_447, %and3A_485 : vector<16xi32>
        %ne3A_487 = arith.constant 0 : i32
        %ne3A_488 = vector.broadcast %ne3A_487 : i32 to vector<16xi32>
        %ne3A_489 = arith.cmpi ne, %and3A_486, %ne3A_488 : vector<16xi32>
        %jit3A_490 = arith.constant 16 : i32
        %jit3A_491 = arith.constant 1 : i32
        %broadcast_in_dim3A_492 = vector.broadcast %jit3A_490 : i32 to vector<16xi32>
        %broadcast_in_dim3A_493 = vector.broadcast %jit3A_491 : i32 to vector<16xi32>
        %select_n3A_494 = arith.select %ne3A_489, %broadcast_in_dim3A_492, %broadcast_in_dim3A_493 : vector<16xi1>, vector<16xi32>
        %and3A_495 = arith.constant 2 : i32
        %and3A_496 = vector.broadcast %and3A_495 : i32 to vector<16xi32>
        %and3A_497 = arith.andi %convert_element_type3A_443, %and3A_496 : vector<16xi32>
        %ne3A_498 = arith.constant 0 : i32
        %ne3A_499 = vector.broadcast %ne3A_498 : i32 to vector<16xi32>
        %ne3A_500 = arith.cmpi ne, %and3A_497, %ne3A_499 : vector<16xi32>
        %jit3A_501 = arith.constant 256 : i32
        %jit3A_502 = arith.constant 1 : i32
        %broadcast_in_dim3A_503 = vector.broadcast %jit3A_501 : i32 to vector<16xi32>
        %broadcast_in_dim3A_504 = vector.broadcast %jit3A_502 : i32 to vector<16xi32>
        %select_n3A_505 = arith.select %ne3A_500, %broadcast_in_dim3A_503, %broadcast_in_dim3A_504 : vector<16xi1>, vector<16xi32>
        %mul3A_506 = arith.muli %select_n3A_494, %select_n3A_505 : vector<16xi32>
        %and3A_507 = arith.constant 1 : i32
        %and3A_508 = vector.broadcast %and3A_507 : i32 to vector<16xi32>
        %and3A_509 = arith.andi %convert_element_type3A_443, %and3A_508 : vector<16xi32>
        %ne3A_510 = arith.constant 0 : i32
        %ne3A_511 = vector.broadcast %ne3A_510 : i32 to vector<16xi32>
        %ne3A_512 = arith.cmpi ne, %and3A_509, %ne3A_511 : vector<16xi32>
        %jit3A_513 = arith.constant 65536 : i32
        %jit3A_514 = arith.constant 1 : i32
        %broadcast_in_dim3A_515 = vector.broadcast %jit3A_513 : i32 to vector<16xi32>
        %broadcast_in_dim3A_516 = vector.broadcast %jit3A_514 : i32 to vector<16xi32>
        %select_n3A_517 = arith.select %ne3A_512, %broadcast_in_dim3A_515, %broadcast_in_dim3A_516 : vector<16xi1>, vector<16xi32>
        %mul3A_518 = arith.muli %mul3A_506, %select_n3A_517 : vector<16xi32>
        %swap3A_519 = arith.index_cast %multiple_of3A_426 : i32 to index
        %swap3A_520 = tpu.vector_load %arg10[%swap3A_519] {strides = array<i32>} : memref<5376xi32, #tpu.memory_space<vmem>>, vector<16xi32>,
        %swap3A_521 = vector.shape_cast %swap3A_520 : vector<16xi32> to vector<16xi32>
        %swap3A_522 = vector.shape_cast %mul3A_518 : vector<16xi32> to vector<16xi32>
        tpu.vector_store %arg10[%swap3A_519], %swap3A_522 {strides = array<i32>} : memref<5376xi32, #tpu.memory_space<vmem>>, vector<16xi32>,
      }
      %scan3A_126 = arith.constant 336 : i32
      %dma_start3A_127 = arith.constant 0 : i32
      %dma_start3A_128 = tpu.memref_slice %arg4[%dma_start3A_127] : memref<1212416xi32, #tpu.memory_space<vmem_shared>> -> memref<1212416xi32, #tpu.memory_space<vmem_shared>>
      tpu.enqueue_indirect_dma source(%arg10 : memref<5376xi32, #tpu.memory_space<vmem>>) target(%dma_start3A_128 : memref<1212416xi32, #tpu.memory_space<vmem_shared>>) offsets(%arg8 : memref<5376xi32, #tpu.memory_space<vmem>>) semaphore(%arg13 : memref<!tpu.dma_semaphore, #tpu.memory_space<semaphore_mem>>) {add = true}
    }
    %scan3A_82 = arith.constant 28 : i32
    %dma_wait3A = arith.constant 0 : i32
    %dma_wait3A_83 = tpu.memref_slice %arg4[%dma_wait3A] : memref<1212416xi32, #tpu.memory_space<vmem_shared>> -> memref<1212416xi32, #tpu.memory_space<vmem_shared>>
    tpu.wait_indirect_dma semaphore(%arg12 : memref<!tpu.dma_semaphore, #tpu.memory_space<semaphore_mem>>) src(%arg9 : memref<5376xi32, #tpu.memory_space<vmem>>) dst(%dma_wait3A_83 : memref<1212416xi32, #tpu.memory_space<vmem_shared>>)
    %dma_wait3A_84 = arith.constant 0 : i32
    %dma_wait3A_85 = tpu.memref_slice %arg4[%dma_wait3A_84] : memref<1212416xi32, #tpu.memory_space<vmem_shared>> -> memref<1212416xi32, #tpu.memory_space<vmem_shared>>
    tpu.wait_indirect_dma semaphore(%arg13 : memref<!tpu.dma_semaphore, #tpu.memory_space<semaphore_mem>>) src(%arg10 : memref<5376xi32, #tpu.memory_space<vmem>>) dst(%dma_wait3A_85 : memref<1212416xi32, #tpu.memory_space<vmem_shared>>)
    %barrier3A_86 = arith.constant 0 : index
    tpu.barrier barrier_id(%barrier3A_86)
    %mul3A_87 = arith.constant 75264 : i32
    %mul3A_88 = arith.muli %arg1, %mul3A_87 : i32
    %mul3A_89 = arith.constant 75264 : i32
    %mul3A_90 = arith.muli %arg1, %mul3A_89 : i32
    %add3A_91 = arith.addi %mul3A_5, %mul3A_90 : i32
    "tpu.region"() ({
      %run_scoped3A = tpu.sem_alloc : memref<!tpu.dma_semaphore, #tpu.memory_space<semaphore_mem>>
      %dma_start3A = tpu.memref_slice %arg3[%add3A_91] : memref<2408448xi32, #tpu.memory_space<hbm>> -> memref<75264xi32, #tpu.memory_space<hbm>>
      %dma_start3A_92 = tpu.memref_slice %arg4[%mul3A_88] : memref<1212416xi32, #tpu.memory_space<vmem_shared>> -> memref<75264xi32, #tpu.memory_space<vmem_shared>>
      tpu.enqueue_dma source(%dma_start3A_92 : memref<75264xi32, #tpu.memory_space<vmem_shared>>) target(%dma_start3A : memref<75264xi32, #tpu.memory_space<hbm>>) target_semaphore(%run_scoped3A : memref<!tpu.dma_semaphore, #tpu.memory_space<semaphore_mem>>)
      %dma_wait3A_93 = tpu.memref_slice %arg3[%add3A_91] : memref<2408448xi32, #tpu.memory_space<hbm>> -> memref<75264xi32, #tpu.memory_space<hbm>>
      %dma_wait3A_94 = tpu.memref_slice %arg4[%mul3A_88] : memref<1212416xi32, #tpu.memory_space<vmem_shared>> -> memref<75264xi32, #tpu.memory_space<vmem_shared>>
      tpu.wait_dma2 semaphore(%run_scoped3A : memref<!tpu.dma_semaphore, #tpu.memory_space<semaphore_mem>>) src(%dma_wait3A_94 : memref<75264xi32, #tpu.memory_space<vmem_shared>>) dst(%dma_wait3A_93 : memref<75264xi32, #tpu.memory_space<hbm>>)
      tpu.yield
    }) : () -> ()
    return
  }
}

module attributes {stable_mosaic.version = 14 : i64} {
  func.func @_mul_body(%arg0: i32, %arg1: i32, %arg2: i32, %arg3: memref<1x16x112x96xf32, #tpu.memory_space<vmem>>, %arg4: memref<1x8x112x96xi32, #tpu.memory_space<vmem>>, %arg5: memref<1x16x1x112x192xf32, #tpu.memory_space<vmem>>) attributes {dimension_semantics = [#tpu.dimension_semantics<arbitrary>, #tpu.dimension_semantics<arbitrary>, #tpu.dimension_semantics<arbitrary>], iteration_bounds = array<i64: 4, 7, 2>, scalar_prefetch = 0 : i64, scratch_operands = 0 : i64, tpu.core_type = #tpu.core_type<tc>, window_params = [{transform_indices = @transform_0, window_bounds = array<i64: 1, 16, 112, 96>}, {transform_indices = @transform_1, window_bounds = array<i64: 1, 8, 112, 96>}, {transform_indices = @transform_2, window_bounds = array<i64: 1, 16, 1, 112, 192>}]} {
    %get3A = arith.constant 0 : index
    %get3A_0 = arith.constant 0 : index
    %get3A_1 = arith.constant 0 : index
    %get3A_2 = arith.constant 0 : index
    %get3A_3 = vector.load %arg3[%get3A, %get3A_0, %get3A_1, %get3A_2] : memref<1x16x112x96xf32, #tpu.memory_space<vmem>>, vector<1x16x112x96xf32>
    %reshape3A = vector.shape_cast %get3A_3 : vector<1x16x112x96xf32> to vector<16x112x96xf32>
    %get3A_4 = arith.constant 0 : index
    %get3A_5 = arith.constant 0 : index
    %get3A_6 = arith.constant 0 : index
    %get3A_7 = arith.constant 0 : index
    %get3A_8 = vector.load %arg4[%get3A_4, %get3A_5, %get3A_6, %get3A_7] : memref<1x8x112x96xi32, #tpu.memory_space<vmem>>, vector<1x8x112x96xi32>
    %reshape3A_9 = vector.shape_cast %get3A_8 : vector<1x8x112x96xi32> to vector<8x112x96xi32>
    %broadcast_in_dim3A = vector.shape_cast %reshape3A_9 : vector<8x112x96xi32> to vector<8x1x112x96xi32>
    %broadcast_in_dim3A_10 = vector.broadcast %broadcast_in_dim3A : vector<8x1x112x96xi32> to vector<8x2x112x96xi32>
    %reshape3A_11 = vector.shape_cast %broadcast_in_dim3A_10 : vector<8x2x112x96xi32> to vector<16x112x96xi32>
    %iota3A = tpu.iota {dimensions = array<i32: 0>} : vector<16x1x1xi32>
    %and3A = arith.constant 1 : i32
    %and3A_12 = vector.broadcast %and3A : i32 to vector<16x1x1xi32>
    %and3A_13 = arith.andi %iota3A, %and3A_12 : vector<16x1x1xi32>
    %mul3A = arith.constant 16 : i32
    %mul3A_14 = arith.muli %arg2, %mul3A : i32
    %mul3A_15 = arith.constant 8 : i32
    %mul3A_16 = vector.broadcast %mul3A_15 : i32 to vector<16x1x1xi32>
    %mul3A_17 = arith.muli %and3A_13, %mul3A_16 : vector<16x1x1xi32>
    %add3A = vector.broadcast %mul3A_14 : i32 to vector<16x1x1xi32>
    %add3A_18 = arith.addi %add3A, %mul3A_17 : vector<16x1x1xi32>
    %shift_right_logical3A = vector.broadcast %add3A_18 : vector<16x1x1xi32> to vector<16x112x96xi32>
    %shift_right_logical3A_19 = arith.shrui %reshape3A_11, %shift_right_logical3A : vector<16x112x96xi32>
    %and3A_20 = arith.constant 15 : i32
    %and3A_21 = vector.broadcast %and3A_20 : i32 to vector<16x112x96xi32>
    %and3A_22 = arith.andi %shift_right_logical3A_19, %and3A_21 : vector<16x112x96xi32>
    %ne3A = arith.constant 0 : i32
    %ne3A_23 = vector.broadcast %ne3A : i32 to vector<16x112x96xi32>
    %ne3A_24 = arith.cmpi ne, %and3A_22, %ne3A_23 : vector<16x112x96xi32>
    %convert_element_type3A = arith.extui %ne3A_24 : vector<16x112x96xi1> to vector<16x112x96xi32>
    %convert_element_type3A_25 = arith.sitofp %convert_element_type3A : vector<16x112x96xi32> to vector<16x112x96xf32>
    %and3A_26 = arith.constant 240 : i32
    %and3A_27 = vector.broadcast %and3A_26 : i32 to vector<16x112x96xi32>
    %and3A_28 = arith.andi %shift_right_logical3A_19, %and3A_27 : vector<16x112x96xi32>
    %ne3A_29 = arith.constant 0 : i32
    %ne3A_30 = vector.broadcast %ne3A_29 : i32 to vector<16x112x96xi32>
    %ne3A_31 = arith.cmpi ne, %and3A_28, %ne3A_30 : vector<16x112x96xi32>
    %convert_element_type3A_32 = arith.extui %ne3A_31 : vector<16x112x96xi1> to vector<16x112x96xi32>
    %convert_element_type3A_33 = arith.sitofp %convert_element_type3A_32 : vector<16x112x96xi32> to vector<16x112x96xf32>
    %mul3A_34 = arith.mulf %reshape3A, %convert_element_type3A_25 : vector<16x112x96xf32>
    %mul3A_35 = arith.mulf %reshape3A, %convert_element_type3A_33 : vector<16x112x96xf32>
    %concatenate3A = tpu.concatenate %mul3A_34, %mul3A_35 in 2 : vector<16x112x96xf32>, vector<16x112x96xf32> -> vector<16x112x192xf32>
    %reshape3A_36 = vector.shape_cast %concatenate3A : vector<16x112x192xf32> to vector<1x16x1x112x192xf32>
    %swap3A = arith.constant 0 : index
    %swap3A_37 = arith.constant 0 : index
    %swap3A_38 = arith.constant 0 : index
    %swap3A_39 = arith.constant 0 : index
    %swap3A_40 = arith.constant 0 : index
    %swap3A_41 = vector.load %arg5[%swap3A, %swap3A_37, %swap3A_38, %swap3A_39, %swap3A_40] : memref<1x16x1x112x192xf32, #tpu.memory_space<vmem>>, vector<1x16x1x112x192xf32>
    tpu.vector_store %arg5[%swap3A, %swap3A_37, %swap3A_38, %swap3A_39, %swap3A_40], %reshape3A_36 {strides = array<i32>} : memref<1x16x1x112x192xf32, #tpu.memory_space<vmem>>, vector<1x16x1x112x192xf32>,
    return
  }
  func.func @transform_0(%arg0: i32, %arg1: i32, %arg2: i32) -> (i32, i32, i32, i32) {
    %c0_i32 = arith.constant 0 : i32
    %c0_i32_0 = arith.constant 0 : i32
    %c0_i32_1 = arith.constant 0 : i32
    return %arg0, %arg1, %c0_i32, %c0_i32_0 : i32, i32, i32, i32
  }
  func.func @transform_1(%arg0: i32, %arg1: i32, %arg2: i32) -> (i32, i32, i32, i32) {
    %c0_i32 = arith.constant 0 : i32
    %c0_i32_0 = arith.constant 0 : i32
    %c0_i32_1 = arith.constant 0 : i32
    return %arg0, %arg1, %c0_i32, %c0_i32_0 : i32, i32, i32, i32
  }
  func.func @transform_2(%arg0: i32, %arg1: i32, %arg2: i32) -> (i32, i32, i32, i32, i32) {
    %c0_i32 = arith.constant 0 : i32
    %c0_i32_0 = arith.constant 0 : i32
    %c0_i32_1 = arith.constant 0 : i32
    return %arg0, %arg1, %arg2, %c0_i32, %c0_i32_0 : i32, i32, i32, i32, i32
  }
}

</mosaic_0001>

<sc_bundles>
// kernel: kernel.4.cloned.1.call-start
scs
__scs_entry_jumppad:
0x0: {  	(pc) =	sbr.rel $0x88, $3  }
0x1: {  	(tag) =	ssettag $0x0;
	lr =	simm.s32 $0x1  }
0x2: {  	[smem:$0x3F9F] =	sst lr;
	_ =	strace $0xD0000000  }
0x3: {  	_ = 	snop  }
0x4: {  	_ = 	snop  }
0x5: {  	_ = 	snop  }
0x6: {  	_ = 	snop  }
0x7: {  	_ = 	snop  }
__scs_overlays_trampoline_lowered:
0x8: {  	[smem:$0x3FAE] =	sst s0  }
0x9: {  	[smem:$0x3FAF] =	sst s1  }
0xa: {  	[smem:$0x3FB0] =	sst s2  }
0xb: {  	[smem:$0x3FB1] =	sst s3  }
0xc: {  	[smem:$0x3FB2] =	sst s4  }
0xd: {  	[smem:$0x3FB3] =	sst s5  }
0xe: {  	[smem:$0x3FB4] =	sst s6  }
0xf: {  	[smem:$0x3FB5] =	sst s7  }
0x10: {  	[smem:$0x3FB6] =	sst s8  }
0x11: {  	[smem:$0x3FB7] =	sst s9;
	s0 =	simm.s32 @!p0 $0x0  }
0x12: {  	s1 =	sld [smem:$0x3F9D];
	s0 =	simm.s32 @p0 $0x1  }
0x13: {  	[smem:$0x3FB8] =	sst s0;
	s0 =	simm.s32 @!p1 $0x0  }
0x14: {  	s2 =	sld [smem:$0x3F9C];
	s0 =	simm.s32 @p1 $0x1  }
0x15: {  	[smem:$0x3FB9] =	sst s0;
	s0 =	simm.s32 @!p2 $0x0  }
0x16: {  	s3 =	sld [smem:$0x3FDB];
	s0 =	simm.s32 @p2 $0x1  }
0x17: {  	s4 =	simm.s32 $0x1BF5;
	[smem:$0x3FBB] =	sst s0  }
0x18: {  	s0 =	sld [smem:$0x3F9E];
	_ =	swait.ge [sflag:s4], $0x0  }
0x19: {  	s7 =	sld [smem:$0x3F9F]  }
0x1a: {  	s8 =	sadd.s32 $0xFFFFE003, lr  }
0x1b: {  	s9 =	sadd.s32 $0xFFFFFEF7, lr;
	s5 =	simm.s32 $0xFFFFFFFF;
	p2 =	slt.u32 s8, $0xFFFFF086  }
0x1c: {  	p1 =	slt.u32 s9, $0xF7A;
	s5 =	simm.s32 @!p2 $0x0  }
0x1d: {  	s5 =	simm.s32 @p1 $0x1;
	p0 =	seq.s32 s7, s2  }
0x1e: {  	s7 =	smul.u32 @!p0 $0xF7A, s2;
	p2 =	seq.s32 @!p0 s5, $0x0  }
0x1f: {  	s9 =	smul.u32 $0xF7A, s1;
	s8 =	simm.s32 @!p0 $0x1BF5;
	p2 =	por !p2, p0  }
0x20: {  	[sflag:s8] =	ssyncset.s32 @!p0 $0xFFFFF086;
	s6 =	sadd.s32 @!p0 s3, s7;
	s7 =	simm.s32 @!p0 $0x108  }
0x21: {  	s3 =	sadd.s32 s3, s9;
	s6 =	sadd.s32 @!p0 $0x88, s6;
	s7 =	simm.s32 @p2 $0x1082  }
0x22: {  	[simem:s7], [sflag:s8] =	dma.local @!p0 [hbm:s6], $0xF7A  }
0x23: {  	s9 =	sor.u32 $0xD0000000, s2;
	s6 =	simm.s32 $0x108;
	_ =	swait.ge @!p0 [sflag:s8], $0x0  }
0x24: {  	s3 =	sadd.s32 $0x88, s3;
	s6 =	simm.s32 @!p1 $0x1082;
	[sflag:s4] =	ssyncset.s32 $0xFFFFF086  }
0x25: {  	[simem:s6], [sflag:s4] =	dma.local [hbm:s3], $0xF7A  }
0x26: {  	[smem:$0x3F9F] =	sst s1;
	(tag) =	ssettag s2;
	_ =	strace s9  }
0x27: {  	s1 =	sld [smem:$0x3FAF]  }
0x28: {  	s2 =	sld [smem:$0x3FB0]  }
0x29: {  	s4 =	sld [smem:$0x3FB2]  }
0x2a: {  	p0 =	seq.s32 s5, $0x0;
	s5 =	sld [smem:$0x3FB3]  }
0x2b: {  	s6 =	sld [smem:$0x3FB4]  }
0x2c: {  	s7 =	sld [smem:$0x3FB5]  }
0x2d: {  	s3 =	simm.s32 $0x108;
	s8 =	sld [smem:$0x3FB6]  }
0x2e: {  	s3 =	simm.s32 @!p0 $0x1082;
	s9 =	sld [smem:$0x3FB7]  }
0x2f: {  	lr =	sadd.s32 s0, s3;
	s0 =	sld [smem:$0x3FAE]  }
0x30: {  	s3 =	sld [smem:$0x3FB1]  }
0x31: {  	[smem:$0x3FBA] =	sst s10  }
0x32: {  	s10 =	sld [smem:$0x3FB8];
	_ =	sdelay $0x3  }
0x33: {  	p0 =	seq.s32 s10, $0x1;
	s10 =	sld [smem:$0x3FBA];
	_ =	sdelay $0x3  }
0x34: {  	[smem:$0x3FBA] =	sst s10  }
0x35: {  	s10 =	sld [smem:$0x3FB9];
	_ =	sdelay $0x3  }
0x36: {  	p1 =	seq.s32 s10, $0x1;
	s10 =	sld [smem:$0x3FBA];
	_ =	sdelay $0x3  }
0x37: {  	[smem:$0x3FBA] =	sst s10  }
0x38: {  	s10 =	sld [smem:$0x3FBB]  }
0x39: {  	_ = 	snop;
	(pc) =	sbr.ind lr, $3  }
0x3a: {  	_ = 	snop  }
0x3b: {  	_ = 	snop  }
0x3c: {  	p2 =	seq.s32 s10, $0x1;
	s10 =	sld [smem:$0x3FBA]  }
0x3d: {  	_ =	shalt  }
0x3e: {  	_ =	shalt  }
0x3f: {  	_ =	shalt  }
0x40: {  	_ =	shalt  }
0x41: {  	_ =	shalt  }
0x42: {  	_ =	shalt  }
0x43: {  	_ =	shalt  }
0x44: {  	_ =	shalt  }
0x45: {  	_ =	shalt  }
0x46: {  	_ =	shalt  }
0x47: {  	_ =	shalt  }
0x48: {  	_ =	shalt  }
0x49: {  	_ =	shalt  }
0x4a: {  	_ =	shalt  }
0x4b: {  	_ =	shalt  }
0x4c: {  	_ =	shalt  }
0x4d: {  	_ =	shalt  }
0x4e: {  	_ =	shalt  }
0x4f: {  	_ =	shalt  }
0x50: {  	_ =	shalt  }
0x51: {  	_ =	shalt  }
0x52: {  	_ =	shalt  }
0x53: {  	_ =	shalt  }
0x54: {  	_ =	shalt  }
0x55: {  	_ =	shalt  }
0x56: {  	_ =	shalt  }
0x57: {  	_ =	shalt  }
0x58: {  	_ =	shalt  }
0x59: {  	_ =	shalt  }
0x5a: {  	_ =	shalt  }
0x5b: {  	_ =	shalt  }
0x5c: {  	_ =	shalt  }
0x5d: {  	_ =	shalt  }
0x5e: {  	_ =	shalt  }
0x5f: {  	_ =	shalt  }
0x60: {  	_ =	shalt  }
0x61: {  	_ =	shalt  }
0x62: {  	_ =	shalt  }
0x63: {  	_ =	shalt  }
0x64: {  	_ =	shalt  }
0x65: {  	_ =	shalt  }
0x66: {  	_ =	shalt  }
0x67: {  	_ =	shalt  }
0x68: {  	_ =	shalt  }
0x69: {  	_ =	shalt  }
0x6a: {  	_ =	shalt  }
0x6b: {  	_ =	shalt  }
0x6c: {  	_ =	shalt  }
0x6d: {  	_ =	shalt  }
0x6e: {  	_ =	shalt  }
0x6f: {  	_ =	shalt  }
0x70: {  	_ =	shalt  }
0x71: {  	_ =	shalt  }
0x72: {  	_ =	shalt  }
0x73: {  	_ =	shalt  }
0x74: {  	_ =	shalt  }
0x75: {  	_ =	shalt  }
0x76: {  	_ =	shalt  }
0x77: {  	_ =	shalt  }
0x78: {  	_ =	shalt  }
0x79: {  	_ =	shalt  }
0x7a: {  	_ =	shalt  }
0x7b: {  	_ =	shalt  }
0x7c: {  	_ =	shalt  }
0x7d: {  	_ =	shalt  }
0x7e: {  	_ =	shalt  }
0x7f: {  	_ =	shalt  }
0x80: {  	_ =	shalt  }
0x81: {  	_ =	shalt  }
0x82: {  	_ =	shalt  }
0x83: {  	_ =	shalt  }
0x84: {  	_ =	shalt  }
0x85: {  	_ =	shalt  }
0x86: {  	_ =	shalt  }
0x87: {  	_ =	shalt  }
.Lfunc_end0:
.L_simem_size_0:
called_computation.1_lowered:
.L_overlay_start_0:
0x88: {  	s2 =	sld [smem:$0x3FD9]  }
0x89: {  	s3 =	sld [smem:$0x3FFE];
	_ =	sdelay $0x1  }
0x8a: {  	s1 =	srdreg.scid  }
0x8b: {  	s0 =	sand.u32 $0x1, s1  }
0x8c: {  	s16 =	sshll.u32 s0, $0xA;
	s2 =	sadd.s32 s3, s2  }
0x8d: {  	s2 =	sadd.s32 s2, s16  }
0x8e: {  	[smem:$0x3FC6] =	sst s2  }
0x8f: {  	_ = 	snop  }
0x90: {  	(tm) =	ssettm $0x1  }
0x91: {  	s17 =	sld [smem:$0x3FFB];
	_ =	sdelay $0x3  }
0x92: {  	_ =	strace s17  }
0x93: {  	s2 =	sld [smem:$0x3FFC];
	_ =	sdelay $0x3  }
0x94: {  	_ =	strace s2  }
0x95: {  	s2 =	sld [smem:$0x3FFD];
	_ =	sdelay $0x3  }
0x96: {  	_ =	strace s2  }
0x97: {  	_ =	strace $0x8FFFFFFF  }
0x98: {  	s18 =	sld [smem:$0x3FDB];
	_ =	sdelay $0x1  }
0x99: {  	s19 =	simm.s32 $_scs_section_size  }
0x9a: {  	s4 =	simm.s32 $_size__tile_overlayer_lowered;
	s5 =	simm.s32 $_tile_overlayer_lowered  }
0x9b: {  	s22 =	simm.s32 $0x1BFF;
	s21 =	sshll.u32 s5, $0x1;
	s2 =	sadd.s32 s19, s18  }
0x9c: {  	s6 =	simm.s32 $0x0;
	s20 =	sshll.u32 s4, $0x1;
	s4 =	sadd.s32 s21, s2  }
0x9d: {  	[timem:s6], [sflag:s22] =	dma.local [hbm:s4], s20  }
0x9e: {  	_ =	swait.ge [sflag:s22], s20  }
0x9f: {  	s3 =	ssub.s32 $0x0, s20;
	[sflag:s22] =	ssyncset.done $0x0  }
0xa0: {  	[sflag:s22] =	ssyncadd.s32 s3;
	_ =	sdelay $0x1  }
0xa1: {  	s23 =	simm.s32 $0x1B8B  }
0xa2: {  	_ =	swait.ge [sflag:s23], $0x1  }
0xa3: {  	[sflag:s23] =	ssyncset.done $0x0  }
0xa4: {  	s25 =	simm.s32 $0x1B8E;
	s24 =	sld [smem:$0x3FFE];
	[sflag:s23] =	ssyncadd.s32 $0xFFFFFFFF  }
0xa5: {  	s26 =	simm.s32 $execute0_lowered;
	[smem:$0x3FD2] =	sst s25  }
0xa6: {  	s4 =	sshll.u32 s26, $0x1;
	_ =	strace $0x80000046;
	[dreg:$0x1] =	wrdreg $0xFFFFFFFF  }
0xa7: {  	s28 =	simm.s32 $_size_execute0_lowered;
	s2 =	sadd.s32 s2, s4;
	[dreg:$0x0] =	wrdreg $0x0  }
0xa8: {  	s4 =	sshll.u32 s28, $0x1;
	[dreg:$0x2] =	wrdreg s2  }
0xa9: {  	[dreg:$0x3] =	wrdreg s4  }
0xaa: {  	[dreg:$0x4] =	wrdreg $0xC0  }
0xab: {  	_ =	task [dreg:s6], $0x5FFFF  }
0xac: {  	[dreg:$0x1] =	wrdreg $0xFFFFFFFF  }
0xad: {  	[dreg:$0x0] =	wrdreg $0x60  }
0xae: {  	[dreg:$0x2] =	wrdreg s24  }
0xaf: {  	[dreg:$0x3] =	wrdreg $0x0  }
0xb0: {  	[dreg:$0x4] =	wrdreg $0x9  }
0xb1: {  	_ =	task.clear_ibuf [dreg:s6], $0x5FFFF;
	_ =	strace $0x90000046  }
0xb2: {  	s29 =	simm.s32 $0x9;
	_ =	strace $0x80000048  }
0xb3: {  	_ =	swait.ge [sflag:s29], $0x1  }
0xb4: {  	[sflag:s29] =	ssyncadd.s32 $0xFFFFFFFF  }
0xb5: {  	_ =	strace $0x90000048  }
0xb6: {  	_ =	sfence  }
0xb7: {  	s30 =	sld [smem:$0x0];
	_ =	sdelay $0x2  }
0xb8: {  	s31 =	sshll.u32 s1, $0xD;
	s1 =	sshrl.u32 s1, $0x2  }
0xb9: {  	s3 =	sand.u32 $0x4000, s31;
	s1 =	sadd.s32 s1, s30  }
0xba: {  	s0 =	sor.u32 s3, s0;
	s1 =	sshll.u32 s1, $0x11  }
0xbb: {  	s0 =	sor.u32 s1, s0  }
0xbc: {  	s0 =	sadd.s32 $0x8F2B, s0  }
0xbd: {  	[sflag:s0] =	ssyncadd.remote.s32 $0x1  }
0xbe: {  	_ =	sfence.sel $0xFFFF  }
0xbf: {  	[dreg:$0x0] =	wrdreg $0xFFFFFFFF;
	(pc) =	sbr.abs _section_cstart, $3  }
0xc0: {  	[dreg:$0x1] =	wrdreg $0xFFFFFFFF  }
0xc1: {  	_ =	task.clear_ibuf [dreg:s6], $0x2FFFF;
	_ =	strace $0x9FFFFFFF  }
0xc2: {  	(tm) =	ssettm $0x7FFFFFFF  }
0xc3: {  	_ =	shalt  }
tec
execute0_lowered:
.L_overlay_start_1:
0x0: {  	(tag) =	ssettag $0x1  }
0x1: {  	s0 =	rddreg [dreg:$0x0];
	s1 =	srdreg.scid  }
0x2: {  	s2 =	rddreg [dreg:$0x1];
	s9 =	stileid.u32  }
0x3: {  	s3 =	simm.s32 $0x0;
	s17 =	simm.s32 $0x1A600;
	s18 =	simm.s32 $0x3  }
0x4: {  	s19 =	simm.s32 $0x12800;
	s20 =	simm.s32 $0x1500;
	s21 =	simm.s32 $0x15200  }
0x5: {  	s22 =	simm.s32 $0x17C00;
	s23 =	simm.s32 $0x13D00;
	s24 =	simm.s32 $0x16700  }
0x6: {  	s25 =	simm.s32 $0x19100;
	s28 =	simm.s32 $0x2;
	s29 =	simm.s32 $0x0  }
0x7: {  	s1 =	sand.u32 $0x1, s1;
	s5 =	smul.u32 $0x12600, s9;
	[smem:$0x7FF] =	sst s3  }
0x8: {  	s8 =	sshrl.u32 s9, $0x2;
	s7 =	smul.u32 $0x126000, s1;
	s1 =	ssub.s32 $0x2, s1  }
0x9: {  	s4 =	sadd.s32 $0x2000, s0;
	s8 =	smul.u32 $0x93000, s8;
	s26 =	sshrl.u32 s1, $0x1  }
0xa: {  	_ =	strace $0x80000047;
	s6 =	sadd.s32 s5, s7;
	s1 =	ssub.s32 s1, s26  }
0xb: {  	s5 =	sadd.s32 s5, s2;
	s7 =	ssub.s32 s8, s7;
	s26 =	simm.s32 $0x1  }
0xc: {  	s6 =	sshrl.u32 s6, $0x3;
	s30 =	sadd.s32 $0x24C0, s5;
	s31 =	sadd.s32 $0x4980, s5  }
0xd: {  	s10 =	sadd.s32 $0x9300, s5;
	s11 =	sadd.s32 $0xB7C0, s5;
	s12 =	sadd.s32 $0xDC80, s5  }
0xe: {  	s0 =	sadd.s32 s6, s0;
	s6 =	smul.u32 $0x49800, s9;
	[dreg:$0x3] =	wrdreg s30  }
0xf: {  	s13 =	sadd.s32 $0x10140, s5;
	s16 =	smax.u32 s1, $0x1;
	[dreg:$0x4] =	wrdreg s31  }
0x10: {  	v1 =	vimm.s32 $0x0;
	v2 =	vimm.s32 $0x10000;
	v0 =	vmov s7;
	s9 =	sadd.s32 $0x6E40, s5;
	s15 =	sadd.s32 $0x95000, s0;
	s14 =	sadd.s32 $0x1500, s6  }
.LBB2_1:
0x11: {  	s0 =	simm.s32 $0x1A640  }
0x12: {  	[tilespmem:s0+$0xFFFFFFC0] =	vst v1  }
0x13: {  	[tilespmem:s0+$0x30] =	vst v1  }
0x14: {  	[tilespmem:s0+$0x20] =	vst v1  }
0x15: {  	[tilespmem:s0+$0x10] =	vst v1  }
0x16: {  	[tilespmem:s0+$0x0] =	vst v1  }
0x17: {  	[tilespmem:s0+$0xFFFFFFF0] =	vst v1  }
0x18: {  	s1 =	simm.s32 $0x0;
	[tilespmem:s0+$0xFFFFFFE0] =	vst v1  }
.LBB2_2:
0x19: {  	s1 =	sadd.s32 $0x8, s1;
	[tilespmem:s0+$0xFFFFFFD0] =	vst v1;
	s0 =	sadd.s32 $0x80, s0  }
0x1a: {  	[tilespmem:s0+$0xFFFFFFC0] =	vst v1;
	p0 =	slt.u32 s1, $0x240  }
0x1b: {  	[tilespmem:s0+$0x30] =	vst v1  }
.Ltmp0:
0x1c: {  	[tilespmem:s0+$0x20] =	vst v1;
	(pc) =	sbr.rel @p0 .LBB2_2-.Ltmp0, $4  }
0x1d: {  	[tilespmem:s0+$0x10] =	vst v1  }
0x1e: {  	[tilespmem:s0+$0x0] =	vst v1  }
0x1f: {  	[tilespmem:s0+$0xFFFFFFF0] =	vst v1  }
0x20: {  	[tilespmem:s0+$0xFFFFFFE0] =	vst v1  }
0x21: {  	[tilespmem:s0+$0xFFFFFFD0] =	vst v1  }
0x22: {  	[tilespmem:$0x1CA80] =	vst v1  }
0x23: {  	[tilespmem:$0x1CA90] =	vst v1  }
0x24: {  	[tilespmem:$0x1CAA0] =	vst v1  }
0x25: {  	[tilespmem:$0x1CAB0] =	vst v1  }
0x26: {  	[spmem:s5] =	stream.linear.scatter [tilespmem:s17], [sflag:$0x3], $0x24C0, $0x38;
	[tilespmem:$0x1CB00] =	vst v63  }
0x27: {  	_ =	swait.ge [sflag:s18], $0x24C0  }
0x28: {  	[sflag:s18] =	ssyncset.done $0x0  }
0x29: {  	s8 =	rddreg [dreg:$0x3];
	[sflag:s18] =	ssyncadd.s32 $0xFFFFDB40  }
0x2a: {  	[spmem:s8] =	stream.linear.scatter [tilespmem:s17], [sflag:$0x3], $0x24C0, $0x38;
	[tilespmem:$0x1CB00] =	vst v63  }
0x2b: {  	_ =	swait.ge [sflag:s18], $0x24C0  }
0x2c: {  	[sflag:s18] =	ssyncset.done $0x0  }
0x2d: {  	s31 =	rddreg [dreg:$0x4];
	[sflag:s18] =	ssyncadd.s32 $0xFFFFDB40  }
0x2e: {  	[spmem:s31] =	stream.linear.scatter [tilespmem:s17], [sflag:$0x3], $0x24C0, $0x38;
	[tilespmem:$0x1CB00] =	vst v63  }
0x2f: {  	_ =	swait.ge [sflag:s18], $0x24C0  }
0x30: {  	[sflag:s18] =	ssyncset.done $0x0  }
0x31: {  	[sflag:s18] =	ssyncadd.s32 $0xFFFFDB40  }
0x32: {  	[spmem:s9] =	stream.linear.scatter [tilespmem:s17], [sflag:$0x3], $0x24C0, $0x38;
	[tilespmem:$0x1CB00] =	vst v63  }
0x33: {  	_ =	swait.ge [sflag:s18], $0x24C0  }
0x34: {  	[sflag:s18] =	ssyncset.done $0x0  }
0x35: {  	[sflag:s18] =	ssyncadd.s32 $0xFFFFDB40  }
0x36: {  	[spmem:s10] =	stream.linear.scatter [tilespmem:s17], [sflag:$0x3], $0x24C0, $0x38;
	[tilespmem:$0x1CB00] =	vst v63  }
0x37: {  	_ =	swait.ge [sflag:s18], $0x24C0  }
0x38: {  	[sflag:s18] =	ssyncset.done $0x0  }
0x39: {  	[sflag:s18] =	ssyncadd.s32 $0xFFFFDB40  }
0x3a: {  	[spmem:s11] =	stream.linear.scatter [tilespmem:s17], [sflag:$0x3], $0x24C0, $0x38;
	[tilespmem:$0x1CB00] =	vst v63  }
0x3b: {  	_ =	swait.ge [sflag:s18], $0x24C0  }
0x3c: {  	[sflag:s18] =	ssyncset.done $0x0  }
0x3d: {  	[sflag:s18] =	ssyncadd.s32 $0xFFFFDB40  }
0x3e: {  	[spmem:s12] =	stream.linear.scatter [tilespmem:s17], [sflag:$0x3], $0x24C0, $0x38;
	[tilespmem:$0x1CB00] =	vst v63  }
0x3f: {  	_ =	swait.ge [sflag:s18], $0x24C0  }
0x40: {  	[sflag:s18] =	ssyncset.done $0x0  }
0x41: {  	[sflag:s18] =	ssyncadd.s32 $0xFFFFDB40  }
0x42: {  	[spmem:s13] =	stream.linear.scatter [tilespmem:s17], [sflag:$0x3], $0x24C0, $0x38;
	[tilespmem:$0x1CB00] =	vst v63  }
0x43: {  	_ =	swait.ge [sflag:s18], $0x24C0  }
0x44: {  	[sflag:s18] =	ssyncset.done $0x0  }
0x45: {  	[sflag:s18] =	ssyncadd.s32 $0xFFFFDB40  }
0x46: {  	s30 =	simm.s32 $0x0;
	[bflag:$0x0] =	sbarrier.arrive $0xFFFF  }
.LBB2_4:
0x47: {  	p0 =	seq.s32 s30, $0x0;
	s31 =	smul.u32 $0x2A00, s30  }
0x48: {  	s0 =	simm.s32 @!p0 $0x1  }
0x49: {  	_ =	swait.ge @!p0 [sflag:s0], $0x1500;
	s1 =	sadd.s32 s6, s31  }
0x4a: {  	[sflag:s0] =	ssyncset.done @!p0 $0x0;
	s1 =	sshrl.u32 s1, $0x3  }
0x4b: {  	[sflag:s0] =	ssyncadd.s32 @!p0 $0xFFFFEB00;
	s8 =	sadd.s32 s4, s1  }
0x4c: {  	[tilespmem:s19], [sflag:$0x3] =	stream.linear.gather [hbm4b:s8+s3], $0x1500, $0x38;
	[tilespmem:$0x1CB00] =	vst v63  }
0x4d: {  	_ =	swait.ge [sflag:s18], $0x1500  }
0x4e: {  	[sflag:s18] =	ssyncset.done $0x0  }
0x4f: {  	s7 =	simm.s32 $0x12820;
	[sflag:s18] =	ssyncadd.s32 $0xFFFFEB00  }
0x50: {  	v3 =	vld [tilespmem:s7+$0xFFFFFFE0];
	_ =	sdelay $0x4  }
0x51: {  	v4 =	vcvt.s32.f32 v3;
	_ =	sdelay $0x1  }
0x52: {  	v4 =	vmul.f32 $1.041666700e-02, v4;
	_ =	sdelay $0x1  }
0x53: {  	v4 =	vtrunc.f32 v4  }
0x54: {  	v4 =	vcvt.f32.s32 v4;
	_ =	sdelay $0x1  }
0x55: {  	v5 =	vcvt.s32.f32 v4;
	_ =	sdelay $0x1  }
0x56: {  	v5 =	vmul.f32 $4.464287780e-03, v5;
	_ =	sdelay $0x1  }
0x57: {  	v5 =	vtrunc.f32 v5  }
0x58: {  	v5 =	vcvt.f32.s32 v5;
	_ =	sdelay $0x1  }
0x59: {  	v6 =	vmul.u32 $0xFFFFFF20, v5  }
0x5a: {  	v7 =	vand.u32 $0x1FFF, v3  }
0x5b: {  	v8 =	vmul.u32 $0xFFFFFFA0, v4;
	v9 =	vshrl.u32 v5, $0x2;
	v6 =	vadd.s32 v4, v6  }
0x5c: {  	v3 =	vadd.s32 v3, v0;
	v9 =	vmul.u32 $0x2A00, v9;
	v6 =	vshrl.u32 v6, $0x1  }
0x5d: {  	v43 =	vor.u32 $0x126000, v7;
	v3 =	vadd.s32 v8, v3;
	v6 =	vmul.u32 $0x60, v6  }
0x5e: {  	v10 =	vand.u32 $0x1, v5;
	v5 =	vshll.u32 v5, $0x2;
	v3 =	vadd.s32 v9, v3  }
0x5f: {  	vm0 =	veq.s32 v10, $0x0;
	v4 =	vshll.u32 v4, $0x2;
	v3 =	vadd.s32 v6, v3  }
0x60: {  	v5 =	vand.u32 $0x8, v5;
	v4 =	vand.u32 $0x4, v4;
	vm1 =	vlt.u32 v3, $0x126000  }
0x61: {  	s0 =	simm.s32 $0x15220;
	v4 =	vor.u32 v4, v5;
	v5 =	vsel vm0, $0x1, v2;
	v3 =	vsel vm1, v3, v43  }
0x62: {  	s1 =	simm.s32 $0x17C20;
	[tilespmem:s0+$0xFFFFFFE0] =	vst v3;
	v3 =	vshll.u32 v5, v4  }
0x63: {  	[tilespmem:s1+$0xFFFFFFE0] =	vst v3  }
0x64: {  	v3 =	vld [tilespmem:s7+$0xFFFFFFF0];
	_ =	sdelay $0x4  }
0x65: {  	v4 =	vcvt.s32.f32 v3;
	_ =	sdelay $0x1  }
0x66: {  	v4 =	vmul.f32 $1.041666700e-02, v4;
	_ =	sdelay $0x1  }
0x67: {  	v4 =	vtrunc.f32 v4  }
0x68: {  	v4 =	vcvt.f32.s32 v4;
	_ =	sdelay $0x1  }
0x69: {  	v5 =	vcvt.s32.f32 v4;
	_ =	sdelay $0x1  }
0x6a: {  	v5 =	vmul.f32 $4.464287780e-03, v5;
	_ =	sdelay $0x1  }
0x6b: {  	v5 =	vtrunc.f32 v5  }
0x6c: {  	v5 =	vcvt.f32.s32 v5;
	_ =	sdelay $0x1  }
0x6d: {  	v44 =	vmul.u32 $0xFFFFFF20, v5  }
0x6e: {  	v45 =	vand.u32 $0x1FFF, v3  }
0x6f: {  	v46 =	vmul.u32 $0xFFFFFFA0, v4;
	v47 =	vshrl.u32 v5, $0x2;
	v6 =	vadd.s32 v4, v44  }
0x70: {  	v3 =	vadd.s32 v3, v0;
	v9 =	vmul.u32 $0x2A00, v47;
	v6 =	vshrl.u32 v6, $0x1  }
0x71: {  	v49 =	vor.u32 $0x126000, v45;
	v3 =	vadd.s32 v46, v3;
	v6 =	vmul.u32 $0x60, v6  }
0x72: {  	v48 =	vand.u32 $0x1, v5;
	v5 =	vshll.u32 v5, $0x2;
	v3 =	vadd.s32 v9, v3  }
0x73: {  	vm10 =	veq.s32 v48, $0x0;
	v4 =	vshll.u32 v4, $0x2;
	v3 =	vadd.s32 v6, v3  }
0x74: {  	v5 =	vand.u32 $0x8, v5;
	v4 =	vand.u32 $0x4, v4;
	vm11 =	vlt.u32 v3, $0x126000  }
0x75: {  	v50 =	vsel vm10, $0x1, v2;
	v4 =	vor.u32 v4, v5;
	v3 =	vsel vm11, v3, v49  }
0x76: {  	[tilespmem:s0+$0xFFFFFFF0] =	vst v3;
	v3 =	vshll.u32 v50, v4  }
0x77: {  	[tilespmem:s1+$0xFFFFFFF0] =	vst v3  }
0x78: {  	v3 =	vld [tilespmem:s7+$0x0];
	_ =	sdelay $0x4  }
0x79: {  	v4 =	vcvt.s32.f32 v3;
	_ =	sdelay $0x1  }
0x7a: {  	v4 =	vmul.f32 $1.041666700e-02, v4;
	_ =	sdelay $0x1  }
0x7b: {  	v4 =	vtrunc.f32 v4  }
0x7c: {  	v4 =	vcvt.f32.s32 v4;
	_ =	sdelay $0x1  }
0x7d: {  	v5 =	vcvt.s32.f32 v4;
	_ =	sdelay $0x1  }
0x7e: {  	v5 =	vmul.f32 $4.464287780e-03, v5;
	_ =	sdelay $0x1  }
0x7f: {  	v5 =	vtrunc.f32 v5  }
0x80: {  	v5 =	vcvt.f32.s32 v5;
	_ =	sdelay $0x1  }
0x81: {  	v51 =	vmul.u32 $0xFFFFFF20, v5  }
0x82: {  	v52 =	vand.u32 $0x1FFF, v3  }
0x83: {  	v53 =	vmul.u32 $0xFFFFFFA0, v4;
	v54 =	vshrl.u32 v5, $0x2;
	v6 =	vadd.s32 v4, v51  }
0x84: {  	v3 =	vadd.s32 v3, v0;
	v9 =	vmul.u32 $0x2A00, v54;
	v6 =	vshrl.u32 v6, $0x1  }
0x85: {  	v56 =	vor.u32 $0x126000, v52;
	v3 =	vadd.s32 v53, v3;
	v6 =	vmul.u32 $0x60, v6  }
0x86: {  	v55 =	vand.u32 $0x1, v5;
	v5 =	vshll.u32 v5, $0x2;
	v3 =	vadd.s32 v9, v3  }
0x87: {  	vm12 =	veq.s32 v55, $0x0;
	v4 =	vshll.u32 v4, $0x2;
	v3 =	vadd.s32 v6, v3  }
0x88: {  	v5 =	vand.u32 $0x8, v5;
	v4 =	vand.u32 $0x4, v4;
	vm13 =	vlt.u32 v3, $0x126000  }
0x89: {  	v57 =	vsel vm12, $0x1, v2;
	v4 =	vor.u32 v4, v5;
	v3 =	vsel vm13, v3, v56  }
0x8a: {  	v4 =	vshll.u32 v57, v4;
	[tilespmem:s0+$0x0] =	vst v3  }
0x8b: {  	[tilespmem:s1+$0x0] =	vst v4  }
0x8c: {  	v3 =	vld [tilespmem:s7+$0x10];
	_ =	sdelay $0x4  }
0x8d: {  	v4 =	vcvt.s32.f32 v3;
	_ =	sdelay $0x1  }
0x8e: {  	v4 =	vmul.f32 $1.041666700e-02, v4;
	_ =	sdelay $0x1  }
0x8f: {  	v4 =	vtrunc.f32 v4  }
0x90: {  	v4 =	vcvt.f32.s32 v4;
	_ =	sdelay $0x1  }
0x91: {  	v5 =	vcvt.s32.f32 v4;
	_ =	sdelay $0x1  }
0x92: {  	v5 =	vmul.f32 $4.464287780e-03, v5;
	_ =	sdelay $0x1  }
0x93: {  	v5 =	vtrunc.f32 v5  }
0x94: {  	v5 =	vcvt.f32.s32 v5;
	_ =	sdelay $0x1  }
0x95: {  	v58 =	vmul.u32 $0xFFFFFF20, v5  }
0x96: {  	v59 =	vand.u32 $0x1FFF, v3  }
0x97: {  	v60 =	vmul.u32 $0xFFFFFFA0, v4;
	v61 =	vshrl.u32 v5, $0x2;
	v6 =	vadd.s32 v4, v58  }
0x98: {  	v3 =	vadd.s32 v3, v0;
	v9 =	vmul.u32 $0x2A00, v61;
	v6 =	vshrl.u32 v6, $0x1  }
0x99: {  	v63 =	vor.u32 $0x126000, v59;
	v3 =	vadd.s32 v60, v3;
	v6 =	vmul.u32 $0x60, v6  }
0x9a: {  	v62 =	vand.u32 $0x1, v5;
	v5 =	vshll.u32 v5, $0x2;
	v3 =	vadd.s32 v9, v3  }
0x9b: {  	vm14 =	veq.s32 v62, $0x0;
	v4 =	vshll.u32 v4, $0x2;
	v3 =	vadd.s32 v6, v3  }
0x9c: {  	v5 =	vand.u32 $0x8, v5;
	v4 =	vand.u32 $0x4, v4;
	vm15 =	vlt.u32 v3, $0x126000  }
0x9d: {  	v4 =	vor.u32 v4, v5;
	v5 =	vsel vm14, $0x1, v2;
	v3 =	vsel vm15, v3, v63  }
0x9e: {  	s8 =	simm.s32 $0x12860;
	s7 =	simm.s32 $0x0;
	[tilespmem:s0+$0x10] =	vst v3;
	v3 =	vshll.u32 v5, v4  }
.LBB2_5:
0x9f: {  	s7 =	sadd.s32 $0x4, s7;
	[tilespmem:s1+$0x10] =	vst v3;
	s1 =	sadd.s32 $0x40, s1;
	s0 =	sadd.s32 $0x40, s0  }
0xa0: {  	v3 =	vld [tilespmem:s8+$0xFFFFFFE0];
	p1 =	slt.u32 s7, $0x14C;
	_ =	sdelay $0x4  }
0xa1: {  	v4 =	vcvt.s32.f32 v3;
	v5 =	vand.u32 $0x1FFF, v3;
	_ =	sdelay $0x1  }
0xa2: {  	v4 =	vmul.f32 $1.041666700e-02, v4;
	_ =	sdelay $0x1  }
0xa3: {  	v4 =	vtrunc.f32 v4  }
0xa4: {  	v4 =	vcvt.f32.s32 v4;
	_ =	sdelay $0x1  }
0xa5: {  	v6 =	vmul.u32 $0xFFFFFFA0, v4;
	v7 =	vcvt.s32.f32 v4;
	v8 =	vshll.u32 v4, $0x2;
	_ =	sdelay $0x1  }
0xa6: {  	v7 =	vmul.f32 $4.464287780e-03, v7;
	_ =	sdelay $0x1  }
0xa7: {  	v7 =	vtrunc.f32 v7  }
0xa8: {  	v7 =	vcvt.f32.s32 v7;
	_ =	sdelay $0x1  }
0xa9: {  	v9 =	vmul.u32 $0xFFFFFF20, v7;
	v10 =	vshrl.u32 v7, $0x2;
	v11 =	vand.u32 $0x1, v7  }
0xaa: {  	v7 =	vshll.u32 v7, $0x2;
	v10 =	vmul.u32 $0x2A00, v10;
	vm0 =	veq.s32 v11, $0x0  }
0xab: {  	v8 =	vand.u32 $0x4, v8;
	v7 =	vand.u32 $0x8, v7;
	v4 =	vadd.s32 v4, v9  }
0xac: {  	v3 =	vadd.s32 v3, v0;
	v7 =	vor.u32 v8, v7;
	v4 =	vshrl.u32 v4, $0x1  }
0xad: {  	v3 =	vadd.s32 v6, v3;
	v4 =	vmul.u32 $0x60, v4  }
0xae: {  	v3 =	vadd.s32 v10, v3  }
0xaf: {  	v3 =	vadd.s32 v4, v3  }
0xb0: {  	v4 =	vor.u32 $0x126000, v5;
	vm1 =	vlt.u32 v3, $0x126000  }
0xb1: {  	v3 =	vsel vm1, v3, v4;
	v4 =	vsel vm0, $0x1, v2  }
0xb2: {  	[tilespmem:s0+$0xFFFFFFE0] =	vst v3;
	v3 =	vshll.u32 v4, v7  }
0xb3: {  	[tilespmem:s1+$0xFFFFFFE0] =	vst v3  }
0xb4: {  	v3 =	vld [tilespmem:s8+$0xFFFFFFF0];
	_ =	sdelay $0x4  }
0xb5: {  	v4 =	vcvt.s32.f32 v3;
	v5 =	vand.u32 $0x1FFF, v3;
	_ =	sdelay $0x1  }
0xb6: {  	v4 =	vmul.f32 $1.041666700e-02, v4;
	_ =	sdelay $0x1  }
0xb7: {  	v4 =	vtrunc.f32 v4  }
0xb8: {  	v4 =	vcvt.f32.s32 v4;
	_ =	sdelay $0x1  }
0xb9: {  	v6 =	vmul.u32 $0xFFFFFFA0, v4;
	v7 =	vcvt.s32.f32 v4;
	v8 =	vshll.u32 v4, $0x2;
	_ =	sdelay $0x1  }
0xba: {  	v7 =	vmul.f32 $4.464287780e-03, v7;
	_ =	sdelay $0x1  }
0xbb: {  	v7 =	vtrunc.f32 v7  }
0xbc: {  	v7 =	vcvt.f32.s32 v7;
	_ =	sdelay $0x1  }
0xbd: {  	v9 =	vmul.u32 $0xFFFFFF20, v7;
	v10 =	vshrl.u32 v7, $0x2;
	v11 =	vand.u32 $0x1, v7  }
0xbe: {  	v7 =	vshll.u32 v7, $0x2;
	v10 =	vmul.u32 $0x2A00, v10;
	vm0 =	veq.s32 v11, $0x0  }
0xbf: {  	v7 =	vand.u32 $0x8, v7;
	v4 =	vadd.s32 v4, v9  }
0xc0: {  	v3 =	vadd.s32 v3, v0;
	v4 =	vshrl.u32 v4, $0x1  }
0xc1: {  	v3 =	vadd.s32 v6, v3;
	v4 =	vmul.u32 $0x60, v4  }
0xc2: {  	v3 =	vadd.s32 v10, v3  }
0xc3: {  	v3 =	vadd.s32 v4, v3  }
0xc4: {  	v4 =	vor.u32 $0x126000, v5;
	v5 =	vand.u32 $0x4, v8;
	vm1 =	vlt.u32 v3, $0x126000  }
0xc5: {  	v5 =	vor.u32 v5, v7;
	v3 =	vsel vm1, v3, v4;
	v4 =	vsel vm0, $0x1, v2  }
0xc6: {  	[tilespmem:s0+$0xFFFFFFF0] =	vst v3;
	v3 =	vshll.u32 v4, v5  }
0xc7: {  	[tilespmem:s1+$0xFFFFFFF0] =	vst v3  }
0xc8: {  	v3 =	vld [tilespmem:s8+$0x0];
	_ =	sdelay $0x4  }
0xc9: {  	v4 =	vcvt.s32.f32 v3;
	v5 =	vand.u32 $0x1FFF, v3;
	_ =	sdelay $0x1  }
0xca: {  	v4 =	vmul.f32 $1.041666700e-02, v4;
	_ =	sdelay $0x1  }
0xcb: {  	v4 =	vtrunc.f32 v4  }
0xcc: {  	v4 =	vcvt.f32.s32 v4;
	_ =	sdelay $0x1  }
0xcd: {  	v6 =	vmul.u32 $0xFFFFFFA0, v4;
	v7 =	vcvt.s32.f32 v4;
	v8 =	vshll.u32 v4, $0x2;
	_ =	sdelay $0x1  }
0xce: {  	v7 =	vmul.f32 $4.464287780e-03, v7;
	_ =	sdelay $0x1  }
0xcf: {  	v7 =	vtrunc.f32 v7  }
0xd0: {  	v7 =	vcvt.f32.s32 v7  }
0xd1: {  	v8 =	vand.u32 $0x4, v8  }
0xd2: {  	v9 =	vmul.u32 $0xFFFFFF20, v7;
	v10 =	vshrl.u32 v7, $0x2;
	v11 =	vand.u32 $0x1, v7  }
0xd3: {  	v7 =	vshll.u32 v7, $0x2;
	v10 =	vmul.u32 $0x2A00, v10;
	vm0 =	veq.s32 v11, $0x0  }
0xd4: {  	v7 =	vand.u32 $0x8, v7;
	v4 =	vadd.s32 v4, v9;
	v9 =	vsel vm0, $0x1, v2  }
0xd5: {  	v3 =	vadd.s32 v3, v0;
	v7 =	vor.u32 v8, v7;
	v4 =	vshrl.u32 v4, $0x1  }
0xd6: {  	v3 =	vadd.s32 v6, v3;
	v6 =	vshll.u32 v9, v7;
	v4 =	vmul.u32 $0x60, v4  }
0xd7: {  	v3 =	vadd.s32 v10, v3  }
0xd8: {  	v3 =	vadd.s32 v4, v3  }
0xd9: {  	v4 =	vor.u32 $0x126000, v5;
	vm0 =	vlt.u32 v3, $0x126000  }
0xda: {  	v3 =	vsel vm0, v3, v4  }
0xdb: {  	[tilespmem:s0+$0x0] =	vst v3  }
0xdc: {  	[tilespmem:s1+$0x0] =	vst v6  }
0xdd: {  	v3 =	vld [tilespmem:s8+$0x10];
	_ =	sdelay $0x4  }
0xde: {  	v4 =	vcvt.s32.f32 v3;
	v5 =	vand.u32 $0x1FFF, v3;
	_ =	sdelay $0x1  }
0xdf: {  	v4 =	vmul.f32 $1.041666700e-02, v4;
	_ =	sdelay $0x1  }
0xe0: {  	v4 =	vtrunc.f32 v4  }
0xe1: {  	v4 =	vcvt.f32.s32 v4;
	_ =	sdelay $0x1  }
0xe2: {  	v6 =	vmul.u32 $0xFFFFFFA0, v4;
	v7 =	vcvt.s32.f32 v4;
	_ =	sdelay $0x1  }
0xe3: {  	v7 =	vmul.f32 $4.464287780e-03, v7;
	_ =	sdelay $0x1  }
0xe4: {  	v7 =	vtrunc.f32 v7  }
0xe5: {  	v7 =	vcvt.f32.s32 v7  }
0xe6: {  	v8 =	vshll.u32 v4, $0x2  }
0xe7: {  	v9 =	vmul.u32 $0xFFFFFF20, v7;
	v10 =	vshrl.u32 v7, $0x2;
	v11 =	vand.u32 $0x1, v7  }
0xe8: {  	v7 =	vshll.u32 v7, $0x2;
	v10 =	vmul.u32 $0x2A00, v10;
	vm0 =	veq.s32 v11, $0x0  }
0xe9: {  	v8 =	vand.u32 $0x4, v8;
	v7 =	vand.u32 $0x8, v7;
	v4 =	vadd.s32 v4, v9  }
0xea: {  	v3 =	vadd.s32 v3, v0;
	v7 =	vor.u32 v8, v7;
	v4 =	vshrl.u32 v4, $0x1  }
0xeb: {  	v3 =	vadd.s32 v6, v3;
	v4 =	vmul.u32 $0x60, v4  }
.Ltmp1:
0xec: {  	v3 =	vadd.s32 v10, v3;
	(pc) =	sbr.rel @p1 .LBB2_5-.Ltmp1, $4  }
0xed: {  	v3 =	vadd.s32 v4, v3  }
0xee: {  	v4 =	vor.u32 $0x126000, v5;
	vm1 =	vlt.u32 v3, $0x126000  }
0xef: {  	v3 =	vsel vm1, v3, v4;
	v4 =	vsel vm0, $0x1, v2  }
0xf0: {  	s8 =	sadd.s32 $0x40, s8;
	[tilespmem:s0+$0x10] =	vst v3;
	v3 =	vshll.u32 v4, v7  }
0xf1: {  	[tilespmem:s1+$0x10] =	vst v3;
	s0 =	simm.s32 @!p0 $0x2  }
0xf2: {  	[spmem:s2] =	stream.indirect.scatter.add.s32 [tilespmem:s22], [sflag:$0x1], $0x1, s21, s20, $0xb8;
	[tilespmem:$0x1CB00] =	vst v63  }
0xf3: {  	s8 =	sadd.s32 s31, s14;
	_ =	swait.ge @!p0 [sflag:s0], $0x1500  }
0xf4: {  	s1 =	sshrl.u32 s8, $0x3;
	[sflag:s0] =	ssyncset.done @!p0 $0x0  }
0xf5: {  	s31 =	sadd.s32 s4, s1;
	[sflag:s0] =	ssyncadd.s32 @!p0 $0xFFFFEB00  }
0xf6: {  	[tilespmem:s23], [sflag:$0x3] =	stream.linear.gather [hbm4b:s31+s3], $0x1500, $0x38;
	[tilespmem:$0x1CB00] =	vst v63  }
0xf7: {  	_ =	swait.ge [sflag:s18], $0x1500  }
0xf8: {  	[sflag:s18] =	ssyncset.done $0x0  }
0xf9: {  	s7 =	simm.s32 $0x13D20;
	[sflag:s18] =	ssyncadd.s32 $0xFFFFEB00  }
0xfa: {  	v3 =	vld [tilespmem:s7+$0xFFFFFFE0];
	_ =	sdelay $0x4  }
0xfb: {  	v4 =	vcvt.s32.f32 v3;
	_ =	sdelay $0x1  }
0xfc: {  	v4 =	vmul.f32 $1.041666700e-02, v4;
	_ =	sdelay $0x1  }
0xfd: {  	v4 =	vtrunc.f32 v4  }
0xfe: {  	v4 =	vcvt.f32.s32 v4;
	_ =	sdelay $0x1  }
0xff: {  	v5 =	vcvt.s32.f32 v4;
	_ =	sdelay $0x1  }
0x100: {  	v5 =	vmul.f32 $4.464287780e-03, v5;
	_ =	sdelay $0x1  }
0x101: {  	v5 =	vtrunc.f32 v5  }
0x102: {  	v5 =	vcvt.f32.s32 v5;
	_ =	sdelay $0x1  }
0x103: {  	v6 =	vmul.u32 $0xFFFFFF20, v5  }
0x104: {  	v7 =	vand.u32 $0x1FFF, v3  }
0x105: {  	v8 =	vmul.u32 $0xFFFFFFA0, v4;
	v9 =	vshrl.u32 v5, $0x2;
	v6 =	vadd.s32 v4, v6  }
0x106: {  	v3 =	vadd.s32 v3, v0;
	v9 =	vmul.u32 $0x2A00, v9;
	v6 =	vshrl.u32 v6, $0x1  }
0x107: {  	v43 =	vor.u32 $0x126000, v7;
	v3 =	vadd.s32 v8, v3;
	v6 =	vmul.u32 $0x60, v6  }
0x108: {  	v10 =	vand.u32 $0x1, v5;
	v5 =	vshll.u32 v5, $0x2;
	v3 =	vadd.s32 v9, v3  }
0x109: {  	vm0 =	veq.s32 v10, $0x0;
	v4 =	vshll.u32 v4, $0x2;
	v3 =	vadd.s32 v6, v3  }
0x10a: {  	v5 =	vand.u32 $0x8, v5;
	v4 =	vand.u32 $0x4, v4;
	vm1 =	vlt.u32 v3, $0x126000  }
0x10b: {  	s0 =	simm.s32 $0x16720;
	v4 =	vor.u32 v4, v5;
	v5 =	vsel vm0, $0x1, v2;
	v3 =	vsel vm1, v3, v43  }
0x10c: {  	s1 =	simm.s32 $0x19120;
	[tilespmem:s0+$0xFFFFFFE0] =	vst v3;
	v3 =	vshll.u32 v5, v4  }
0x10d: {  	[tilespmem:s1+$0xFFFFFFE0] =	vst v3  }
0x10e: {  	v3 =	vld [tilespmem:s7+$0xFFFFFFF0];
	_ =	sdelay $0x4  }
0x10f: {  	v4 =	vcvt.s32.f32 v3;
	_ =	sdelay $0x1  }
0x110: {  	v4 =	vmul.f32 $1.041666700e-02, v4;
	_ =	sdelay $0x1  }
0x111: {  	v4 =	vtrunc.f32 v4  }
0x112: {  	v4 =	vcvt.f32.s32 v4;
	_ =	sdelay $0x1  }
0x113: {  	v5 =	vcvt.s32.f32 v4;
	_ =	sdelay $0x1  }
0x114: {  	v5 =	vmul.f32 $4.464287780e-03, v5;
	_ =	sdelay $0x1  }
0x115: {  	v5 =	vtrunc.f32 v5  }
0x116: {  	v5 =	vcvt.f32.s32 v5;
	_ =	sdelay $0x1  }
0x117: {  	v44 =	vmul.u32 $0xFFFFFF20, v5  }
0x118: {  	v45 =	vand.u32 $0x1FFF, v3  }
0x119: {  	v46 =	vmul.u32 $0xFFFFFFA0, v4;
	v47 =	vshrl.u32 v5, $0x2;
	v6 =	vadd.s32 v4, v44  }
0x11a: {  	v3 =	vadd.s32 v3, v0;
	v9 =	vmul.u32 $0x2A00, v47;
	v6 =	vshrl.u32 v6, $0x1  }
0x11b: {  	v49 =	vor.u32 $0x126000, v45;
	v3 =	vadd.s32 v46, v3;
	v6 =	vmul.u32 $0x60, v6  }
0x11c: {  	v48 =	vand.u32 $0x1, v5;
	v5 =	vshll.u32 v5, $0x2;
	v3 =	vadd.s32 v9, v3  }
0x11d: {  	vm10 =	veq.s32 v48, $0x0;
	v4 =	vshll.u32 v4, $0x2;
	v3 =	vadd.s32 v6, v3  }
0x11e: {  	v5 =	vand.u32 $0x8, v5;
	v4 =	vand.u32 $0x4, v4;
	vm11 =	vlt.u32 v3, $0x126000  }
0x11f: {  	v50 =	vsel vm10, $0x1, v2;
	v4 =	vor.u32 v4, v5;
	v3 =	vsel vm11, v3, v49  }
0x120: {  	[tilespmem:s0+$0xFFFFFFF0] =	vst v3;
	v3 =	vshll.u32 v50, v4  }
0x121: {  	[tilespmem:s1+$0xFFFFFFF0] =	vst v3  }
0x122: {  	v3 =	vld [tilespmem:s7+$0x0];
	_ =	sdelay $0x4  }
0x123: {  	v4 =	vcvt.s32.f32 v3;
	_ =	sdelay $0x1  }
0x124: {  	v4 =	vmul.f32 $1.041666700e-02, v4;
	_ =	sdelay $0x1  }
0x125: {  	v4 =	vtrunc.f32 v4  }
0x126: {  	v4 =	vcvt.f32.s32 v4;
	_ =	sdelay $0x1  }
0x127: {  	v5 =	vcvt.s32.f32 v4;
	_ =	sdelay $0x1  }
0x128: {  	v5 =	vmul.f32 $4.464287780e-03, v5;
	_ =	sdelay $0x1  }
0x129: {  	v5 =	vtrunc.f32 v5  }
0x12a: {  	v5 =	vcvt.f32.s32 v5;
	_ =	sdelay $0x1  }
0x12b: {  	v51 =	vmul.u32 $0xFFFFFF20, v5  }
0x12c: {  	v52 =	vand.u32 $0x1FFF, v3  }
0x12d: {  	v53 =	vmul.u32 $0xFFFFFFA0, v4;
	v54 =	vshrl.u32 v5, $0x2;
	v6 =	vadd.s32 v4, v51  }
0x12e: {  	v3 =	vadd.s32 v3, v0;
	v9 =	vmul.u32 $0x2A00, v54;
	v6 =	vshrl.u32 v6, $0x1  }
0x12f: {  	v56 =	vor.u32 $0x126000, v52;
	v3 =	vadd.s32 v53, v3;
	v6 =	vmul.u32 $0x60, v6  }
0x130: {  	v55 =	vand.u32 $0x1, v5;
	v5 =	vshll.u32 v5, $0x2;
	v3 =	vadd.s32 v9, v3  }
0x131: {  	vm12 =	veq.s32 v55, $0x0;
	v4 =	vshll.u32 v4, $0x2;
	v3 =	vadd.s32 v6, v3  }
0x132: {  	v5 =	vand.u32 $0x8, v5;
	v4 =	vand.u32 $0x4, v4;
	vm13 =	vlt.u32 v3, $0x126000  }
0x133: {  	v57 =	vsel vm12, $0x1, v2;
	v4 =	vor.u32 v4, v5;
	v3 =	vsel vm13, v3, v56  }
0x134: {  	v4 =	vshll.u32 v57, v4;
	[tilespmem:s0+$0x0] =	vst v3  }
0x135: {  	[tilespmem:s1+$0x0] =	vst v4  }
0x136: {  	v3 =	vld [tilespmem:s7+$0x10];
	_ =	sdelay $0x4  }
0x137: {  	v4 =	vcvt.s32.f32 v3;
	_ =	sdelay $0x1  }
0x138: {  	v4 =	vmul.f32 $1.041666700e-02, v4;
	_ =	sdelay $0x1  }
0x139: {  	v4 =	vtrunc.f32 v4  }
0x13a: {  	v4 =	vcvt.f32.s32 v4;
	_ =	sdelay $0x1  }
0x13b: {  	v5 =	vcvt.s32.f32 v4;
	_ =	sdelay $0x1  }
0x13c: {  	v5 =	vmul.f32 $4.464287780e-03, v5;
	_ =	sdelay $0x1  }
0x13d: {  	v5 =	vtrunc.f32 v5  }
0x13e: {  	v5 =	vcvt.f32.s32 v5;
	_ =	sdelay $0x1  }
0x13f: {  	v58 =	vmul.u32 $0xFFFFFF20, v5  }
0x140: {  	v59 =	vand.u32 $0x1FFF, v3  }
0x141: {  	v60 =	vmul.u32 $0xFFFFFFA0, v4;
	v61 =	vshrl.u32 v5, $0x2;
	v6 =	vadd.s32 v4, v58  }
0x142: {  	v3 =	vadd.s32 v3, v0;
	v9 =	vmul.u32 $0x2A00, v61;
	v6 =	vshrl.u32 v6, $0x1  }
0x143: {  	v63 =	vor.u32 $0x126000, v59;
	v3 =	vadd.s32 v60, v3;
	v6 =	vmul.u32 $0x60, v6  }
0x144: {  	v62 =	vand.u32 $0x1, v5;
	v5 =	vshll.u32 v5, $0x2;
	v3 =	vadd.s32 v9, v3  }
0x145: {  	vm14 =	veq.s32 v62, $0x0;
	v4 =	vshll.u32 v4, $0x2;
	v3 =	vadd.s32 v6, v3  }
0x146: {  	v5 =	vand.u32 $0x8, v5;
	v4 =	vand.u32 $0x4, v4;
	vm15 =	vlt.u32 v3, $0x126000  }
0x147: {  	v4 =	vor.u32 v4, v5;
	v5 =	vsel vm14, $0x1, v2;
	v3 =	vsel vm15, v3, v63  }
0x148: {  	s8 =	simm.s32 $0x13D60;
	s7 =	simm.s32 $0x0;
	[tilespmem:s0+$0x10] =	vst v3;
	v3 =	vshll.u32 v5, v4  }
.LBB2_7:
0x149: {  	s7 =	sadd.s32 $0x4, s7;
	[tilespmem:s1+$0x10] =	vst v3;
	s1 =	sadd.s32 $0x40, s1;
	s0 =	sadd.s32 $0x40, s0  }
0x14a: {  	v3 =	vld [tilespmem:s8+$0xFFFFFFE0];
	p0 =	slt.u32 s7, $0x14C;
	_ =	sdelay $0x4  }
0x14b: {  	v4 =	vcvt.s32.f32 v3;
	v5 =	vand.u32 $0x1FFF, v3;
	_ =	sdelay $0x1  }
0x14c: {  	v4 =	vmul.f32 $1.041666700e-02, v4;
	_ =	sdelay $0x1  }
0x14d: {  	v4 =	vtrunc.f32 v4  }
0x14e: {  	v4 =	vcvt.f32.s32 v4;
	_ =	sdelay $0x1  }
0x14f: {  	v6 =	vmul.u32 $0xFFFFFFA0, v4;
	v7 =	vcvt.s32.f32 v4;
	v8 =	vshll.u32 v4, $0x2;
	_ =	sdelay $0x1  }
0x150: {  	v7 =	vmul.f32 $4.464287780e-03, v7;
	_ =	sdelay $0x1  }
0x151: {  	v7 =	vtrunc.f32 v7  }
0x152: {  	v7 =	vcvt.f32.s32 v7;
	_ =	sdelay $0x1  }
0x153: {  	v9 =	vmul.u32 $0xFFFFFF20, v7;
	v10 =	vshrl.u32 v7, $0x2;
	v11 =	vand.u32 $0x1, v7  }
0x154: {  	v7 =	vshll.u32 v7, $0x2;
	v10 =	vmul.u32 $0x2A00, v10;
	vm0 =	veq.s32 v11, $0x0  }
0x155: {  	v8 =	vand.u32 $0x4, v8;
	v7 =	vand.u32 $0x8, v7;
	v4 =	vadd.s32 v4, v9  }
0x156: {  	v3 =	vadd.s32 v3, v0;
	v7 =	vor.u32 v8, v7;
	v4 =	vshrl.u32 v4, $0x1  }
0x157: {  	v3 =	vadd.s32 v6, v3;
	v4 =	vmul.u32 $0x60, v4  }
0x158: {  	v3 =	vadd.s32 v10, v3  }
0x159: {  	v3 =	vadd.s32 v4, v3  }
0x15a: {  	v4 =	vor.u32 $0x126000, v5;
	vm1 =	vlt.u32 v3, $0x126000  }
0x15b: {  	v3 =	vsel vm1, v3, v4;
	v4 =	vsel vm0, $0x1, v2  }
0x15c: {  	[tilespmem:s0+$0xFFFFFFE0] =	vst v3;
	v3 =	vshll.u32 v4, v7  }
0x15d: {  	[tilespmem:s1+$0xFFFFFFE0] =	vst v3  }
0x15e: {  	v3 =	vld [tilespmem:s8+$0xFFFFFFF0];
	_ =	sdelay $0x4  }
0x15f: {  	v4 =	vcvt.s32.f32 v3;
	v5 =	vand.u32 $0x1FFF, v3;
	_ =	sdelay $0x1  }
0x160: {  	v4 =	vmul.f32 $1.041666700e-02, v4;
	_ =	sdelay $0x1  }
0x161: {  	v4 =	vtrunc.f32 v4  }
0x162: {  	v4 =	vcvt.f32.s32 v4;
	_ =	sdelay $0x1  }
0x163: {  	v6 =	vmul.u32 $0xFFFFFFA0, v4;
	v7 =	vcvt.s32.f32 v4;
	v8 =	vshll.u32 v4, $0x2;
	_ =	sdelay $0x1  }
0x164: {  	v7 =	vmul.f32 $4.464287780e-03, v7;
	_ =	sdelay $0x1  }
0x165: {  	v7 =	vtrunc.f32 v7  }
0x166: {  	v7 =	vcvt.f32.s32 v7;
	_ =	sdelay $0x1  }
0x167: {  	v9 =	vmul.u32 $0xFFFFFF20, v7;
	v10 =	vshrl.u32 v7, $0x2;
	v11 =	vand.u32 $0x1, v7  }
0x168: {  	v7 =	vshll.u32 v7, $0x2;
	v10 =	vmul.u32 $0x2A00, v10;
	vm0 =	veq.s32 v11, $0x0  }
0x169: {  	v7 =	vand.u32 $0x8, v7;
	v4 =	vadd.s32 v4, v9  }
0x16a: {  	v3 =	vadd.s32 v3, v0;
	v4 =	vshrl.u32 v4, $0x1  }
0x16b: {  	v3 =	vadd.s32 v6, v3;
	v4 =	vmul.u32 $0x60, v4  }
0x16c: {  	v3 =	vadd.s32 v10, v3  }
0x16d: {  	v3 =	vadd.s32 v4, v3  }
0x16e: {  	v4 =	vor.u32 $0x126000, v5;
	v5 =	vand.u32 $0x4, v8;
	vm1 =	vlt.u32 v3, $0x126000  }
0x16f: {  	v5 =	vor.u32 v5, v7;
	v3 =	vsel vm1, v3, v4;
	v4 =	vsel vm0, $0x1, v2  }
0x170: {  	[tilespmem:s0+$0xFFFFFFF0] =	vst v3;
	v3 =	vshll.u32 v4, v5  }
0x171: {  	[tilespmem:s1+$0xFFFFFFF0] =	vst v3  }
0x172: {  	v3 =	vld [tilespmem:s8+$0x0];
	_ =	sdelay $0x4  }
0x173: {  	v4 =	vcvt.s32.f32 v3;
	v5 =	vand.u32 $0x1FFF, v3;
	_ =	sdelay $0x1  }
0x174: {  	v4 =	vmul.f32 $1.041666700e-02, v4;
	_ =	sdelay $0x1  }
0x175: {  	v4 =	vtrunc.f32 v4  }
0x176: {  	v4 =	vcvt.f32.s32 v4;
	_ =	sdelay $0x1  }
0x177: {  	v6 =	vmul.u32 $0xFFFFFFA0, v4;
	v7 =	vcvt.s32.f32 v4;
	v8 =	vshll.u32 v4, $0x2;
	_ =	sdelay $0x1  }
0x178: {  	v7 =	vmul.f32 $4.464287780e-03, v7;
	_ =	sdelay $0x1  }
0x179: {  	v7 =	vtrunc.f32 v7  }
0x17a: {  	v7 =	vcvt.f32.s32 v7  }
0x17b: {  	v8 =	vand.u32 $0x4, v8  }
0x17c: {  	v9 =	vmul.u32 $0xFFFFFF20, v7;
	v10 =	vshrl.u32 v7, $0x2;
	v11 =	vand.u32 $0x1, v7  }
0x17d: {  	v7 =	vshll.u32 v7, $0x2;
	v10 =	vmul.u32 $0x2A00, v10;
	vm0 =	veq.s32 v11, $0x0  }
0x17e: {  	v7 =	vand.u32 $0x8, v7;
	v4 =	vadd.s32 v4, v9;
	v9 =	vsel vm0, $0x1, v2  }
0x17f: {  	v3 =	vadd.s32 v3, v0;
	v7 =	vor.u32 v8, v7;
	v4 =	vshrl.u32 v4, $0x1  }
0x180: {  	v3 =	vadd.s32 v6, v3;
	v6 =	vshll.u32 v9, v7;
	v4 =	vmul.u32 $0x60, v4  }
0x181: {  	v3 =	vadd.s32 v10, v3  }
0x182: {  	v3 =	vadd.s32 v4, v3  }
0x183: {  	v4 =	vor.u32 $0x126000, v5;
	vm0 =	vlt.u32 v3, $0x126000  }
0x184: {  	v3 =	vsel vm0, v3, v4  }
0x185: {  	[tilespmem:s0+$0x0] =	vst v3  }
0x186: {  	[tilespmem:s1+$0x0] =	vst v6  }
0x187: {  	v3 =	vld [tilespmem:s8+$0x10];
	_ =	sdelay $0x4  }
0x188: {  	v4 =	vcvt.s32.f32 v3;
	v5 =	vand.u32 $0x1FFF, v3;
	_ =	sdelay $0x1  }
0x189: {  	v4 =	vmul.f32 $1.041666700e-02, v4;
	_ =	sdelay $0x1  }
0x18a: {  	v4 =	vtrunc.f32 v4  }
0x18b: {  	v4 =	vcvt.f32.s32 v4;
	_ =	sdelay $0x1  }
0x18c: {  	v6 =	vmul.u32 $0xFFFFFFA0, v4;
	v7 =	vcvt.s32.f32 v4;
	_ =	sdelay $0x1  }
0x18d: {  	v7 =	vmul.f32 $4.464287780e-03, v7;
	_ =	sdelay $0x1  }
0x18e: {  	v7 =	vtrunc.f32 v7  }
0x18f: {  	v7 =	vcvt.f32.s32 v7  }
0x190: {  	v8 =	vshll.u32 v4, $0x2  }
0x191: {  	v9 =	vmul.u32 $0xFFFFFF20, v7;
	v10 =	vshrl.u32 v7, $0x2;
	v11 =	vand.u32 $0x1, v7  }
0x192: {  	v7 =	vshll.u32 v7, $0x2;
	v10 =	vmul.u32 $0x2A00, v10;
	vm0 =	veq.s32 v11, $0x0  }
0x193: {  	v8 =	vand.u32 $0x4, v8;
	v7 =	vand.u32 $0x8, v7;
	v4 =	vadd.s32 v4, v9  }
0x194: {  	v3 =	vadd.s32 v3, v0;
	v7 =	vor.u32 v8, v7;
	v4 =	vshrl.u32 v4, $0x1  }
0x195: {  	v3 =	vadd.s32 v6, v3;
	v4 =	vmul.u32 $0x60, v4  }
.Ltmp2:
0x196: {  	v3 =	vadd.s32 v10, v3;
	(pc) =	sbr.rel @p0 .LBB2_7-.Ltmp2, $4  }
0x197: {  	v3 =	vadd.s32 v4, v3  }
0x198: {  	v4 =	vor.u32 $0x126000, v5;
	vm1 =	vlt.u32 v3, $0x126000  }
0x199: {  	v3 =	vsel vm1, v3, v4;
	v4 =	vsel vm0, $0x1, v2  }
0x19a: {  	s8 =	sadd.s32 $0x40, s8;
	[tilespmem:s0+$0x10] =	vst v3;
	v3 =	vshll.u32 v4, v7  }
0x19b: {  	s30 =	sadd.s32 $0x1, s30  }
0x19c: {  	p0 =	sne.s32 s30, $0x1C  }
.Ltmp3:
0x19d: {  	_ = 	snop;
	(pc) =	sbr.rel @p0 .LBB2_4-.Ltmp3, $3  }
0x19e: {  	_ =	sdelay $0x1  }
0x19f: {  	[tilespmem:s1+$0x10] =	vst v3  }
0x1a0: {  	[spmem:s2] =	stream.indirect.scatter.add.s32 [tilespmem:s25], [sflag:$0x2], $0x1, s24, s20, $0xb8;
	[tilespmem:$0x1CB00] =	vst v63  }
0x1a1: {  	_ =	swait.ge [sflag:s26], $0x1500  }
0x1a2: {  	[sflag:s26] =	ssyncset.done $0x0  }
0x1a3: {  	[sflag:s26] =	ssyncadd.s32 $0xFFFFEB00  }
0x1a4: {  	s0 =	stileid.u32;
	_ =	swait.ge [sflag:s28], $0x1500  }
0x1a5: {  	s1 =	sshrl.u32 s5, $0x3;
	s29 =	sadd.s32 $0x1, s29;
	[sflag:s28] =	ssyncset.done $0x0  }
0x1a6: {  	s0 =	sshll.u32 s0, $0x6;
	p0 =	sne.s32 s29, s16;
	[sflag:s28] =	ssyncadd.s32 $0xFFFFEB00  }
.Ltmp4:
0x1a7: {  	s0 =	sor.u32 $0x1C03, s0;
	[bflag:$0x0] =	sbarrier.arrive $0xFFFF;
	(pc) =	sbr.rel @p0 .LBB2_1-.Ltmp4, $4  }
0x1a8: {  	[hbm:s15], [sflag:s0] =	dma.local [spmem:s1], $0x24C0  }
0x1a9: {  	_ =	swait.ge [sflag:s18], $0x24C0  }
0x1aa: {  	[sflag:s18] =	ssyncset.done $0x0  }
0x1ab: {  	[sflag:s18] =	ssyncadd.s32 $0xFFFFDB40  }
0x1ac: {  	_ =	sfence.sel $0x180000  }
0x1ad: {  	[bflag:$0x0] =	sbarrier.arrive $0xFFFF  }
0x1ae: {  	_ =	strace $0x90000047  }
0x1af: {  	s0 =	stileid.u32;
	[bflag:$0x2] =	sbarrier.arrive $0xFFFF  }
0x1b0: {  	p0 =	sne.s32 s0, $0x0;
	s0 =	rddreg [dreg:$0x2]  }
0x1b1: {  	s0 =	sadd.s32 @!p0 $0x100000, s0  }
0x1b2: {  	[sflag:s0] =	ssyncadd.tile.s32 @!p0 $0x1;
	_ =	shalt  }
.Lfunc_end2:
_tile_overlayer_lowered:
.L_overlay_start_2:
0x1b3: {  	(tag) =	ssettag $0x2  }
0x1b4: {  	s0 =	rddreg [dreg:$0x0];
	s2 =	stileid.u32  }
0x1b5: {  	s1 =	rddreg [dreg:$0x1];
	p0 =	sne.s32 s2, $0x0  }
0x1b6: {  	s3 =	rddreg [dreg:$0x2];
	[bflag:$0x3] =	sbarrier.arrive $0xFFFF;
	s2 =	simm.s32 @!p0 $0x1C03  }
0x1b7: {  	[timem:s3], [sflag:s2] =	dma.local @!p0 [hbm:s0], s1  }
0x1b8: {  	s0 =	simm.s32 @!p0 $0x3  }
0x1b9: {  	_ =	swait.ge @!p0 [sflag:s0], s1  }
0x1ba: {  	s1 =	ssub.s32 @!p0 $0x0, s1;
	[sflag:s0] =	ssyncset.done @!p0 $0x0  }
0x1bb: {  	[sflag:s0] =	ssyncadd.s32 @!p0 s1  }
0x1bc: {  	[bflag:$0x3] =	sbarrier.arrive $0xFFFF  }
0x1bd: {  	_ =	shalt  }

// kernel: sparse-core-data-format-call.cloned.1.call-start
scs
called_computation_lowered:
.L_overlay_start_0:
0x0: {  	s2 =	sld [smem:$0x3FD9]  }
0x1: {  	s3 =	sld [smem:$0x3FFE];
	_ =	sdelay $0x1  }
0x2: {  	s1 =	srdreg.scid  }
0x3: {  	s0 =	sand.u32 $0x1, s1  }
0x4: {  	s18 =	sshll.u32 s0, $0xA;
	s2 =	sadd.s32 s3, s2  }
0x5: {  	s2 =	sadd.s32 s2, s18  }
0x6: {  	[smem:$0x3FC6] =	sst s2  }
0x7: {  	_ = 	snop  }
0x8: {  	s2 =	sld [smem:$0x3FD0];
	(tm) =	ssettm $0x1  }
0x9: {  	s19 =	sld [smem:$0x3FFB];
	_ =	sdelay $0x3  }
0xa: {  	_ =	strace s19  }
0xb: {  	s3 =	sld [smem:$0x3FFC];
	_ =	sdelay $0x3  }
0xc: {  	_ =	strace s3  }
0xd: {  	s3 =	sld [smem:$0x3FFD];
	_ =	sdelay $0x3  }
0xe: {  	_ =	strace s3  }
0xf: {  	_ =	strace $0x8FFFFFFF  }
0x10: {  	s20 =	sld [smem:$0x3FDB];
	_ =	sdelay $0x1  }
0x11: {  	s4 =	simm.s32 $_scs_section_size  }
0x12: {  	s5 =	simm.s32 $_size__tile_overlayer_lowered;
	s6 =	simm.s32 $_tile_overlayer_lowered  }
0x13: {  	s23 =	simm.s32 $0x1BFF;
	s22 =	sshll.u32 s6, $0x1;
	s3 =	sadd.s32 s4, s20  }
0x14: {  	s7 =	simm.s32 $0x0;
	s21 =	sshll.u32 s5, $0x1;
	s5 =	sadd.s32 s22, s3  }
0x15: {  	[timem:s7], [sflag:s23] =	dma.local [hbm:s5], s21  }
0x16: {  	_ =	swait.ge [sflag:s23], s21  }
0x17: {  	s4 =	ssub.s32 $0x0, s21;
	[sflag:s23] =	ssyncset.done $0x0  }
0x18: {  	[sflag:s23] =	ssyncadd.s32 s4;
	_ =	sdelay $0x1  }
0x19: {  	s24 =	simm.s32 $0x1B8B  }
0x1a: {  	_ =	swait.ge [sflag:s24], $0x1  }
0x1b: {  	[sflag:s24] =	ssyncset.done $0x0  }
0x1c: {  	s26 =	simm.s32 $0x1B8E;
	s25 =	sld [smem:$0x3FFE];
	[sflag:s24] =	ssyncadd.s32 $0xFFFFFFFF  }
0x1d: {  	s27 =	simm.s32 $execute0_lowered;
	[smem:$0x3FD2] =	sst s26  }
0x1e: {  	s5 =	sshll.u32 s27, $0x1;
	_ =	strace $0x80000049;
	[dreg:$0x1] =	wrdreg $0xFFFFFFFF  }
0x1f: {  	s28 =	simm.s32 $_size_execute0_lowered;
	s3 =	sadd.s32 s3, s5;
	[dreg:$0x0] =	wrdreg $0x0  }
0x20: {  	s5 =	sshll.u32 s28, $0x1;
	[dreg:$0x2] =	wrdreg s3  }
0x21: {  	[dreg:$0x3] =	wrdreg s5  }
0x22: {  	[dreg:$0x4] =	wrdreg $0xC0  }
0x23: {  	_ =	task [dreg:s7], $0x5FFFF  }
0x24: {  	[dreg:$0x1] =	wrdreg $0xFFFFFFFF  }
0x25: {  	[dreg:$0x0] =	wrdreg $0x60  }
0x26: {  	[dreg:$0x2] =	wrdreg s25  }
0x27: {  	[dreg:$0x3] =	wrdreg s2  }
0x28: {  	[dreg:$0x4] =	wrdreg $0x9  }
0x29: {  	_ =	task.clear_ibuf [dreg:s7], $0x5FFFF;
	_ =	strace $0x90000049  }
0x2a: {  	s29 =	simm.s32 $0x9;
	_ =	strace $0x8000004B  }
0x2b: {  	_ =	swait.ge [sflag:s29], $0x1  }
0x2c: {  	[sflag:s29] =	ssyncadd.s32 $0xFFFFFFFF  }
0x2d: {  	_ =	strace $0x9000004B  }
0x2e: {  	_ =	sfence  }
0x2f: {  	s30 =	sld [smem:$0x0];
	_ =	sdelay $0x2  }
0x30: {  	s31 =	sshll.u32 s1, $0xD;
	s1 =	sshrl.u32 s1, $0x2  }
0x31: {  	s3 =	sand.u32 $0x4000, s31;
	s1 =	sadd.s32 s1, s30  }
0x32: {  	s0 =	sor.u32 s3, s0;
	s1 =	sshll.u32 s1, $0x11  }
0x33: {  	s0 =	sor.u32 s1, s0  }
0x34: {  	s0 =	sadd.s32 $0x8F2B, s0  }
0x35: {  	[sflag:s0] =	ssyncadd.remote.s32 $0x1  }
0x36: {  	_ =	sfence.sel $0xFFFF  }
0x37: {  	[dreg:$0x0] =	wrdreg $0xFFFFFFFF;
	(pc) =	sbr.abs _section_cstart, $3  }
0x38: {  	[dreg:$0x1] =	wrdreg $0xFFFFFFFF  }
0x39: {  	_ =	task.clear_ibuf [dreg:s7], $0x2FFFF;
	_ =	strace $0x9FFFFFFF  }
0x3a: {  	(tm) =	ssettm $0x7FFFFFFF  }
0x3b: {  	_ =	shalt  }
tec
execute0_lowered:
.L_overlay_start_1:
0x0: {  	(tag) =	ssettag $0x1  }
0x1: {  	s0 =	rddreg [dreg:$0x0]  }
0x2: {  	s1 =	srdreg.scid;
	_ =	strace $0x8000004A;
	s2 =	stileid.u32  }
0x3: {  	s30 =	simm.s32 $0x1;
	s31 =	simm.s32 $0x2;
	s15 =	simm.s32 $0x0  }
0x4: {  	s16 =	simm.s32 $0x0;
	s17 =	simm.s32 $0x0;
	s8 =	simm.s32 $0x0  }
0x5: {  	s10 =	simm.s32 $0x0;
	s12 =	simm.s32 $0x0;
	s11 =	simm.s32 $0x0  }
.Ltmp0:
0x6: {  	s9 =	simm.s32 $0x0;
	s29 =	sshll.u32 s1, $0x4;
	(pc) =	sbr.rel .LBB1_1-.Ltmp0, $4  }
0x7: {  	s6 =	sadd.s32 $0x312000, s0;
	[sflag:s30] =	ssyncpa.u1 $0x0;
	s0 =	sand.u32 $0x10, s29  }
0x8: {  	s7 =	sand.u32 $0x3, s2;
	[dreg:$0x3] =	wrdreg s6;
	s0 =	sor.u32 s2, s0  }
0x9: {  	[sflag:s31] =	ssyncpa.u1 $0x0;
	[dreg:$0x4] =	wrdreg s7;
	s22 =	sshrl.u32 s0, $0x2  }
0xa: {  	s14 =	smov.u32 s7;
	s13 =	smov.u32 s22;
	[dreg:$0x5] =	wrdreg s22  }
.LBB1_9:
0xb: {  	p0 =	sgt.s32 s8, $0x80;
	s3 =	smul.u32 $0xA8000, s12  }
0xc: {  	s0 =	smov.u32 s8;
	s1 =	sshrl.u32 s8, $0x5;
	s27 =	smul.u32 $0xC00, s10  }
0xd: {  	s4 =	sshrl.u32 s8, $0x3;
	s5 =	rddreg [dreg:$0x1];
	s0 =	simm.s32 @!p0 $0x80  }
0xe: {  	s28 =	sand.u32 $0x7, s8;
	s1 =	sand.u32 $0xFFFFFC, s1;
	s0 =	sadd.s32 s19, s0  }
0xf: {  	s29 =	rddreg [dreg:$0x6];
	s26 =	smulhi.u32 $0x2AAAAAB, s1;
	s2 =	sadd.s32 $0xFFFFFF80, s0  }
0x10: {  	s6 =	rddreg [dreg:$0x3];
	s0 =	ssub.s32 $0x100, s0;
	p0 =	sgt.s32 s2, $0x7F  }
0x11: {  	s7 =	rddreg [dreg:$0x4];
	s2 =	smul.u32 $0x60, s26;
	s0 =	simm.s32 @p0 $0x0  }
0x12: {  	s31 =	simm.s32 $0x800;
	s22 =	rddreg [dreg:$0x5];
	s0 =	smul.u32 s0, s18  }
0x13: {  	s4 =	sand.u32 $0xF, s4;
	s3 =	sadd.s32 s5, s3;
	s1 =	ssub.s32 s1, s2  }
0x14: {  	s2 =	sadd.s32 s27, s3;
	s3 =	sshll.u32 s28, $0x12;
	s0 =	smul.u32 $0x60, s0  }
0x15: {  	s1 =	sshll.u32 s1, $0x5;
	s2 =	sadd.s32 s4, s2;
	s4 =	sor.u32 $0x8000, s29  }
0x16: {  	s30 =	sor.u32 $0x400, s3;
	s1 =	sadd.s32 s1, s2;
	s0 =	sand.u32 $0x3FFFFFE0, s0  }
0x17: {  	[hbm4b:s1+s30] =	stream.strided.scatter [tilespmem:s4], [sflag:$0x2], s0, s31, s30, $0x20;
	[tilespmem:$0x10100] =	vst v63  }
.LBB1_10:
0x18: {  	p0 =	slt.u32 s9, $0x2  }
0x19: {  	p1 =	sgt.s32 @!p0 s17, $0x3  }
0x1a: {  	s0 =	smov.u32 s17;
	s1 =	sshra.s32 @!p0 s17, $0x1F;
	p1 =	por !p1, p0  }
0x1b: {  	s2 =	smov.u32 s16;
	s1 =	sand.u32 @!p0 s1, s17;
	s0 =	simm.s32 @p1 $0x3  }
0x1c: {  	s3 =	sshra.s32 @!p0 s16, $0x1F;
	p1 =	sgt.s32 @!p0 s16, $0xDF;
	s0 =	ssub.s32 @!p0 s0, s1  }
0x1d: {  	s4 =	sshra.s32 @!p0 s15, $0x1F;
	p2 =	por !p1, p0;
	s1 =	sadd.s32 @!p0 $0xFFFFFFFD, s0  }
0x1e: {  	s2 =	simm.s32 @p2 $0xDF;
	p1 =	sgt.s32 @!p0 s1, $0x0;
	s1 =	sand.u32 @!p0 s3, s16  }
0x1f: {  	s0 =	ssub.s32 @!p0 $0x4, s0;
	p2 =	sgt.s32 @!p0 s15, $0x80;
	s1 =	ssub.s32 @!p0 s2, s1  }
0x20: {  	p2 =	por !p2, p0;
	s3 =	smov.u32 s15;
	s2 =	sadd.s32 @!p0 $0xFFFFFF21, s1  }
0x21: {  	s3 =	simm.s32 @p2 $0x80;
	p2 =	sgt.s32 @!p0 s2, $0x0;
	s2 =	sand.u32 @!p0 s4, s15  }
0x22: {  	s0 =	smul.u32 @!p0 $0x60, s0;
	p1 =	por !p1, p0;
	s2 =	ssub.s32 @!p0 s3, s2  }
0x23: {  	s1 =	ssub.s32 @!p0 $0xE0, s1;
	p2 =	por !p2, p0;
	s3 =	sadd.s32 @!p0 $0xFFFFFF80, s2  }
0x24: {  	s0 =	simm.s32 @!p1 $0x0;
	s1 =	simm.s32 @!p2 $0x0;
	p2 =	sgt.s32 @!p0 s3, $0x7F  }
0x25: {  	s2 =	ssub.s32 @!p0 $0x100, s2;
	s0 =	smul.u32 @!p0 s1, s0;
	p1 =	por !p2, p0  }
0x26: {  	s1 =	sadd.s32 $0x80, s11;
	s3 =	smov.u32 s13;
	s2 =	simm.s32 @!p1 $0x0  }
0x27: {  	p1 =	sgt.s32 s1, $0xDF;
	s0 =	smul.u32 @!p0 s2, s0;
	s2 =	sadd.s32 $0x8, s13  }
0x28: {  	s3 =	smov.u32 @p1 s2  }
0x29: {  	s5 =	smov.u32 s14;
	s2 =	sadd.s32 $0x4, s14;
	p2 =	sgt.s32 s3, $0xDF  }
0x2a: {  	s9 =	sadd.s32 $0x1, s9;
	s5 =	smov.u32 @p2 s2  }
0x2b: {  	s17 =	smov.u32 s12;
	s1 =	simm.s32 @p1 $0x0;
	p1 =	sgt.s32 s5, $0x3  }
0x2c: {  	s12 =	smov.u32 s14;
	s5 =	smov.u32 @p1 s7;
	p1 =	sne.s32 s9, $0x3A  }
.Ltmp1:
0x2d: {  	s16 =	smov.u32 s10;
	s10 =	smov.u32 s13;
	(pc) =	sbr.rel @!p1 .LBB1_11-.Ltmp1, $4  }
0x2e: {  	s4 =	simm.s32 @!p0 $0x2;
	s15 =	smov.u32 s8;
	s0 =	sand.u32 @!p0 $0x3FFFFFE0, s0  }
0x2f: {  	s8 =	smov.u32 s11;
	s11 =	smov.u32 s1;
	_ =	swait.ge @!p0 [sflag:s4], s0  }
0x30: {  	s0 =	ssub.s32 @!p0 $0x0, s0;
	s3 =	smov.u32 @p2 s22;
	[sflag:s4] =	ssyncset.done @!p0 $0x0  }
0x31: {  	s13 =	smov.u32 s3;
	[sflag:s4] =	ssyncadd.s32 @!p0 s0;
	s14 =	smov.u32 s5  }
.LBB1_1:
0x32: {  	p0 =	sgt.u32 s9, $0x37;
	s18 =	smov.u32 s14  }
0x33: {  	s0 =	sand.u32 @!p0 $0x1FFFFFF, s11;
	p1 =	sgt.s32 @!p0 s14, $0x3;
	s19 =	sshra.s32 @!p0 s14, $0x1F  }
0x34: {  	s20 =	sshra.s32 @!p0 s13, $0x1F;
	s1 =	smulhi.u32 @!p0 $0x2492493, s0;
	p1 =	por !p1, p0  }
0x35: {  	s19 =	sand.u32 @!p0 s19, s14;
	s20 =	sand.u32 @!p0 s20, s13;
	s18 =	simm.s32 @p1 $0x3  }
0x36: {  	p1 =	sgt.s32 @!p0 s13, $0xDF;
	s1 =	sshrl.u32 @!p0 s1, $0x1;
	s18 =	ssub.s32 @!p0 s18, s19  }
0x37: {  	p1 =	por !p1, p0;
	s19 =	smov.u32 s13;
	s1 =	smul.u32 @!p0 $0xE0, s1  }
0x38: {  	s19 =	simm.s32 @p1 $0xDF;
	p1 =	sgt.s32 @!p0 s11, $0x60;
	s18 =	sadd.s32 @!p0 $0xFFFFFFFD, s18  }
0x39: {  	s19 =	ssub.s32 @!p0 s19, s20;
	p1 =	por !p1, p0;
	s20 =	smov.u32 s11  }
0x3a: {  	p2 =	sgt.s32 @!p0 s18, $0x0;
	s18 =	sshll.u32 @!p0 s18, $0x7;
	s21 =	sadd.s32 @!p0 $0xFFFFFF21, s19  }
0x3b: {  	s20 =	simm.s32 @p1 $0x60;
	p1 =	sgt.s32 @!p0 s21, $0x0;
	s21 =	sshra.s32 @!p0 s11, $0x1F  }
0x3c: {  	s19 =	ssub.s32 @!p0 $0xE0, s19;
	s18 =	ssub.s32 @!p0 $0x80, s18;
	s21 =	sand.u32 @!p0 s21, s11  }
0x3d: {  	p2 =	por !p2, p0;
	p1 =	por !p1, p0;
	s20 =	ssub.s32 @!p0 s20, s21  }
0x3e: {  	s18 =	simm.s32 @!p2 $0x0;
	s19 =	simm.s32 @!p1 $0x0;
	s21 =	sadd.s32 @!p0 $0xFFFFFFA0, s20  }
0x3f: {  	s0 =	ssub.s32 @!p0 s0, s1;
	s18 =	smul.u32 @!p0 s19, s18;
	p1 =	sgt.s32 @!p0 s21, $0x7F  }
0x40: {  	s19 =	ssub.s32 @!p0 $0xE0, s20;
	s20 =	smul.u32 @!p0 $0xC4000, s14;
	p1 =	por !p1, p0  }
0x41: {  	s1 =	smul.u32 @!p0 $0xE00, s13;
	s21 =	sxor.u32 @!p0 $0xFFFFFFFF, s9;
	s19 =	simm.s32 @!p1 $0x0  }
0x42: {  	s21 =	sshll.u32 @!p0 s21, $0xE;
	s18 =	smul.u32 @!p0 s19, s18;
	s19 =	sadd.s32 @!p0 s6, s20  }
0x43: {  	s0 =	sshll.u32 @!p0 s0, $0x4;
	s20 =	sand.u32 @!p0 $0x4000, s21;
	s1 =	sadd.s32 @!p0 s1, s19  }
0x44: {  	s18 =	sand.u32 @!p0 $0x3FFFFF80, s18;
	s0 =	sadd.s32 @!p0 s0, s1;
	s1 =	simm.s32 @!p0 $0x0  }
0x45: {  	[tilespmem:s20], [sflag:$0x1] =	stream.linear.gather @!p0 [hbm4b:s0+s1], s18, $0x38;
	[tilespmem:$0x10100] =	vst v63  }
0x46: {  	p0 =	seq.s32 s9, $0x0  }
0x47: {  	p1 =	seq.s32 @!p0 s9, $0x39  }
0x48: {  	p0 =	por p0, p1  }
.Ltmp2:
0x49: {  	_ = 	snop;
	(pc) =	sbr.rel @p0 .LBB1_10-.Ltmp2, $1  }
0x4a: {  	_ =	sdelay $0x3  }
0x4b: {  	p0 =	sgt.s32 s12, $0x3;
	s0 =	smov.u32 s12;
	s1 =	sshra.s32 s12, $0x1F  }
0x4c: {  	s18 =	sshra.s32 s10, $0x1F;
	s26 =	ssub.s32 $0x0, s8;
	s27 =	sshra.s32 s8, $0x1F  }
0x4d: {  	p1 =	sgt.s32 s8, $0x60;
	s20 =	smov.u32 s8;
	s0 =	simm.s32 @!p0 $0x3  }
0x4e: {  	s1 =	sand.u32 s1, s12;
	p0 =	sgt.s32 s10, $0xDF;
	s18 =	sand.u32 s18, s10  }
0x4f: {  	s20 =	simm.s32 @!p1 $0x60;
	s0 =	ssub.s32 s0, s1;
	s1 =	smov.u32 s10  }
0x50: {  	s19 =	sadd.s32 $0xFFFFFFFD, s0;
	s1 =	simm.s32 @!p0 $0xDF;
	s0 =	ssub.s32 $0x4, s0  }
0x51: {  	p0 =	sgt.s32 s19, $0x0;
	s1 =	ssub.s32 s1, s18;
	s19 =	sand.u32 s26, s27  }
0x52: {  	s21 =	sadd.s32 $0xFFFFFF21, s1;
	s1 =	ssub.s32 $0xE0, s1;
	s18 =	sadd.s32 s19, s20  }
0x53: {  	s0 =	simm.s32 @p0 $0x0;
	p1 =	sgt.s32 s21, $0x0;
	s20 =	sadd.s32 $0xFFFFFFA0, s18  }
0x54: {  	s1 =	simm.s32 @p1 $0x0;
	s28 =	sshll.u32 s20, $0x7;
	p0 =	sgt.s32 s20, $0x7F  }
0x55: {  	s18 =	smul.u32 s0, s1;
	s0 =	ssub.s32 $0x4000, s28;
	s1 =	sadd.s32 $0x1, s12  }
0x56: {  	s20 =	sadd.s32 $0x1, s10;
	s0 =	simm.s32 @p0 $0x0;
	p0 =	slt.s32 s1, $0x4  }
0x57: {  	s1 =	simm.s32 @!p0 $0x4;
	p0 =	slt.s32 s20, $0xE0  }
0x58: {  	s21 =	ssub.s32 s1, s12;
	s20 =	simm.s32 @!p0 $0xE0;
	s1 =	sadd.s32 $0x80, s8  }
0x59: {  	s22 =	ssub.s32 s20, s10;
	p1 =	slt.s32 s1, $0xE0;
	p0 =	slt.s32 s21, $0x1  }
0x5a: {  	s1 =	simm.s32 @!p1 $0xE0;
	p1 =	slt.s32 @!p0 s22, $0x1  }
0x5b: {  	s23 =	ssub.s32 s1, s8;
	p1 =	por p0, p1  }
0x5c: {  	p2 =	slt.s32 @!p1 s23, $0x1  }
0x5d: {  	s0 =	smul.u32 s18, s0;
	p1 =	por p1, p2  }
.Ltmp3:
0x5e: {  	_ = 	snop;
	(pc) =	sbr.rel @p1 .LBB1_9-.Ltmp3, $4  }
0x5f: {  	s2 =	simm.s32 $0x1;
	s29 =	sand.u32 $0x3FFFFF80, s0;
	s0 =	sand.u32 $0x1, s9  }
0x60: {  	_ =	swait.ge [sflag:s2], s29;
	s31 =	smul.u32 $0x4080, s0  }
0x61: {  	s30 =	ssub.s32 $0x0, s29;
	[sflag:s2] =	ssyncset.done $0x0  }
0x62: {  	[sflag:s2] =	ssyncadd.s32 s30;
	[dreg:$0x6] =	wrdreg s31  }
0x63: {  	s24 =	sshll.u32 @!p0 s0, $0xE;
	s0 =	rddreg [dreg:$0x6]  }
0x64: {  	s26 =	simm.s32 $0x0;
	s25 =	sor.u32 @!p0 $0x8000, s0  }
.LBB1_4:
0x65: {  	s27 =	simm.s32 $0x0  }
.LBB1_5:
0x66: {  	s0 =	sadd.s32 s26, s27  }
0x67: {  	s1 =	sshll.u32 s0, $0x10  }
0x68: {  	s1 =	sshra.s32 s1, $0x2  }
0x69: {  	s1 =	sadd.s32 s1, s24  }
0x6a: {  	s29 =	simm.s32 $0x0;
	s7 =	simm.s32 $0x0;
	s0 =	smul.u32 $0x10200, s0;
	v0 =	vmov s1  }
0x6b: {  	s31 =	simm.s32 $0x10;
	s4 =	simm.s32 $0x30;
	s3 =	simm.s32 $0x50  }
0x6c: {  	s31 =	sand.u32 $0x78, s31;
	s4 =	sand.u32 $0x78, s4;
	s0 =	sshra.s32 s0, $0x2  }
0x6d: {  	s31 =	smul.u32 $0x204, s31;
	s28 =	sadd.s32 s0, s25;
	s0 =	sand.u32 $0x78, s7  }
0x6e: {  	s4 =	smul.u32 $0x204, s4;
	s1 =	sand.u32 $0x3F80, s29;
	s2 =	sxor.u32 $0x40, s0  }
0x6f: {  	s30 =	simm.s32 $0x1;
	s3 =	sand.u32 $0x78, s3;
	s2 =	smul.u32 $0x204, s2;
	v1 =	vld.idx.msk [tilespmem:v0+s1+$0x40 ss:$0x1], $0xffff  }
0x70: {  	p0 =	sne.s32 s23, $0x1;
	s5 =	sand.u32 $0x7F, s29;
	s3 =	smul.u32 $0x204, s3  }
0x71: {  	s7 =	simm.s32 $0x20;
	s0 =	smul.u32 $0x204, s0;
	s2 =	sshrl.u32 s2, $0x2;
	v2 =	vld.idx.msk [tilespmem:v0+s1+$0x0 ss:$0x1], $0xffff  }
0x72: {  	s31 =	sshrl.u32 s31, $0x2;
	s7 =	sand.u32 $0x78, s7;
	v3 =	vld.idx.msk [tilespmem:v0+s1+$0x10 ss:$0x1], $0xffff;
	s2 =	sadd.s32 s2, s28  }
0x73: {  	s7 =	smul.u32 $0x204, s7;
	s0 =	sshrl.u32 s0, $0x2;
	v4 =	vld.idx.msk [tilespmem:v0+s1+$0x20 ss:$0x1], $0xffff;
	s2 =	sadd.s32 s5, s2  }
.Ltmp4:
0x74: {  	s4 =	sshrl.u32 s4, $0x2;
	s0 =	sadd.s32 s0, s28;
	[tilespmem:s2+$0x0 ss:$0x81] =	vst.msk $0xffff, v1;
	v1 =	vld.idx.msk [tilespmem:v0+s1+$0x30 ss:$0x1], $0xffff;
	(pc) =	sbr.rel @!p0 .LBB1_7-.Ltmp4, $4  }
0x75: {  	s20 =	sadd.s32 s31, s28;
	s7 =	sshrl.u32 s7, $0x2;
	s0 =	sadd.s32 s5, s0  }
0x76: {  	s3 =	sshrl.u32 s3, $0x2;
	s7 =	sadd.s32 s7, s28;
	[tilespmem:s0+$0x0 ss:$0x81] =	vst.msk $0xffff, v2;
	s2 =	sadd.s32 s5, s20;
	v2 =	vld.idx.msk [tilespmem:v0+s1+$0x50 ss:$0x1], $0xffff  }
0x77: {  	s6 =	sadd.s32 s4, s28;
	s20 =	sadd.s32 s5, s7;
	[tilespmem:s2+$0x0 ss:$0x81] =	vst.msk $0xffff, v3;
	s2 =	sadd.s32 s3, s28  }
0x78: {  	s31 =	simm.s32 $0x2808;
	s1 =	sadd.s32 s5, s6;
	[tilespmem:s20+$0x0 ss:$0x81] =	vst.msk $0xffff, v4;
	s0 =	sadd.s32 s5, s2  }
.LBB1_6:
0x79: {  	s2 =	sadd.s32 $0xFFFFD800, s31;
	s3 =	sadd.s32 $0xFFFFE000, s31;
	[tilespmem:s1+$0x0 ss:$0x81] =	vst.msk $0xffff, v1;
	s1 =	smov.u32 s30  }
0x7a: {  	s30 =	sadd.s32 $0x1, s30;
	s29 =	sadd.s32 $0x80, s29;
	s4 =	sadd.s32 $0xFFFFE800, s31  }
0x7b: {  	s5 =	sadd.s32 $0xFFFFF000, s31;
	s2 =	sshrl.u32 s2, $0x7;
	p0 =	sne.s32 s23, s30;
	[tilespmem:s0+$0x0 ss:$0x81] =	vst.msk $0xffff, v2  }
0x7c: {  	s6 =	sshrl.u32 s31, $0x7;
	s0 =	sand.u32 $0x3F80, s29;
	s2 =	sand.u32 $0x78, s2  }
0x7d: {  	s3 =	sshrl.u32 s3, $0x7;
	s4 =	sshrl.u32 s4, $0x7;
	v3 =	vld.idx.msk [tilespmem:v0+s0+$0x40 ss:$0x1], $0xffff;
	s7 =	sxor.u32 $0x40, s2  }
0x7e: {  	s5 =	sshrl.u32 s5, $0x7;
	s6 =	sand.u32 $0x78, s6;
	v4 =	vld.idx.msk [tilespmem:v0+s0+$0x0 ss:$0x1], $0xffff;
	s7 =	smul.u32 $0x204, s7  }
0x7f: {  	s20 =	sand.u32 $0x7F, s1;
	s3 =	sand.u32 $0x78, s3;
	s4 =	sand.u32 $0x78, s4;
	v5 =	vld.idx.msk [tilespmem:v0+s0+$0x10 ss:$0x1], $0xffff  }
0x80: {  	s5 =	sand.u32 $0x78, s5;
	s1 =	smul.u32 $0x204, s2;
	v6 =	vld.idx.msk [tilespmem:v0+s0+$0x20 ss:$0x1], $0xffff;
	s7 =	sshrl.u32 s7, $0x2  }
0x81: {  	s3 =	smul.u32 $0x204, s3;
	v1 =	vld.idx.msk [tilespmem:v0+s0+$0x30 ss:$0x1], $0xffff;
	s2 =	sadd.s32 s7, s28  }
0x82: {  	s2 =	sadd.s32 s20, s2;
	v2 =	vld.idx.msk [tilespmem:v0+s0+$0x50 ss:$0x1], $0xffff;
	s0 =	sshrl.u32 s1, $0x2;
	s1 =	smul.u32 $0x204, s4  }
0x83: {  	s4 =	smul.u32 $0x204, s6;
	[tilespmem:s2+$0x0 ss:$0x81] =	vst.msk $0xffff, v3  }
0x84: {  	s0 =	sadd.s32 s0, s28;
	s2 =	sshrl.u32 s3, $0x2;
	s3 =	smul.u32 $0x204, s5  }
.Ltmp5:
0x85: {  	s2 =	sadd.s32 s2, s28;
	s1 =	sshrl.u32 s1, $0x2;
	(pc) =	sbr.rel @p0 .LBB1_6-.Ltmp5, $4  }
0x86: {  	s0 =	sadd.s32 s20, s0;
	s1 =	sadd.s32 s1, s28;
	s3 =	sshrl.u32 s3, $0x2  }
0x87: {  	[tilespmem:s0+$0x0 ss:$0x81] =	vst.msk $0xffff, v4;
	s0 =	sadd.s32 s20, s2;
	s2 =	sadd.s32 s3, s28;
	s3 =	sshrl.u32 s4, $0x2  }
0x88: {  	[tilespmem:s0+$0x0 ss:$0x81] =	vst.msk $0xffff, v5;
	s0 =	sadd.s32 s20, s1;
	s1 =	sadd.s32 s20, s2;
	s2 =	sadd.s32 s3, s28  }
0x89: {  	s31 =	sadd.s32 $0x8, s31;
	[tilespmem:s0+$0x0 ss:$0x81] =	vst.msk $0xffff, v6;
	s0 =	sadd.s32 s20, s2  }
.LBB1_7:
0x8a: {  	s27 =	sadd.s32 $0x1, s27  }
0x8b: {  	p0 =	sne.s32 s27, s22  }
.Ltmp6:
0x8c: {  	_ = 	snop;
	(pc) =	sbr.rel @p0 .LBB1_5-.Ltmp6, $3  }
0x8d: {  	_ =	sdelay $0x1  }
0x8e: {  	[tilespmem:s1+$0x0 ss:$0x81] =	vst.msk $0xffff, v1  }
0x8f: {  	[tilespmem:s0+$0x0 ss:$0x81] =	vst.msk $0xffff, v2  }
0x90: {  	s26 =	sadd.s32 $0x1, s26  }
0x91: {  	p0 =	sne.s32 s26, s21  }
.Ltmp7:
0x92: {  	_ = 	snop;
	(pc) =	sbr.rel @p0 .LBB1_4-.Ltmp7, $4  }
.Ltmp8:
0x93: {  	_ = 	snop;
	(pc) =	sbr.rel @!p0 .LBB1_9-.Ltmp8, $4  }
0x94: {  	_ = 	snop  }
0x95: {  	_ = 	snop  }
0x96: {  	_ = 	snop  }
0x97: {  	_ = 	snop  }
.LBB1_11:
0x98: {  	_ =	sfence.sel $0x180000  }
0x99: {  	s0 =	simm.s32 $0x1;
	[bflag:$0x0] =	sbarrier.arrive $0xFFFF  }
0x9a: {  	s30 =	simm.s32 $0x2;
	[sflag:s0] =	ssyncpa.u1 $0x1  }
0x9b: {  	[sflag:s30] =	ssyncpa.u1 $0x1  }
0x9c: {  	_ =	strace $0x9000004A  }
0x9d: {  	s31 =	stileid.u32;
	[bflag:$0x2] =	sbarrier.arrive $0xFFFF  }
0x9e: {  	p0 =	sne.s32 s31, $0x0;
	s0 =	rddreg [dreg:$0x2]  }
0x9f: {  	s0 =	sadd.s32 @!p0 $0x100000, s0  }
0xa0: {  	[sflag:s0] =	ssyncadd.tile.s32 @!p0 $0x1;
	_ =	shalt  }
.Lfunc_end1:
_tile_overlayer_lowered:
.L_overlay_start_2:
0xa1: {  	(tag) =	ssettag $0x2  }
0xa2: {  	s0 =	rddreg [dreg:$0x0];
	s2 =	stileid.u32  }
0xa3: {  	s1 =	rddreg [dreg:$0x1];
	p0 =	sne.s32 s2, $0x0  }
0xa4: {  	s3 =	rddreg [dreg:$0x2];
	[bflag:$0x3] =	sbarrier.arrive $0xFFFF;
	s2 =	simm.s32 @!p0 $0x1C01  }
0xa5: {  	[timem:s3], [sflag:s2] =	dma.local @!p0 [hbm:s0], s1  }
0xa6: {  	s0 =	simm.s32 @!p0 $0x1  }
0xa7: {  	_ =	swait.ge @!p0 [sflag:s0], s1  }
0xa8: {  	s1 =	ssub.s32 @!p0 $0x0, s1;
	[sflag:s0] =	ssyncset.done @!p0 $0x0  }
0xa9: {  	[sflag:s0] =	ssyncadd.s32 @!p0 s1  }
0xaa: {  	[bflag:$0x3] =	sbarrier.arrive $0xFFFF  }
0xab: {  	_ =	shalt  }

</sc_bundles>
